<compile_context>
chip_gen: v7x
topology: tpu7x:2x2x1
jax: 0.10.2.dev20260603
libtpu: 0.0.44.dev20260713+nightly
codegen_flags: <defaults>
</compile_context>

<pallas_src>
import functools

import jax
import jax.numpy as jnp
from jax import lax
from jax.experimental import pallas as pl
from jax.experimental.pallas import tpu as pltpu
from jax.experimental.pallas import tpu_sc as plsc

_NC = 2
_NS = 16
_NW = _NC * _NS
_CH = 64
_TB = 2048
_EPS = 1e-12


@functools.lru_cache(maxsize=None)
def _make_gather_kernel(B, S, H, VOCAB):
    SPAN = S // _NW
    K = (SPAN // _CH) * B
    mesh = plsc.VectorSubcoreMesh(
        core_axis_name="c", subcore_axis_name="s",
        num_cores=_NC, num_subcores=_NS)

    def body(ids, word, out, idx0, idx1, x0, x1,
             gsem0, gsem1, wsem0, wsem1):
        cid = lax.axis_index("c")
        sid = lax.axis_index("s")
        p0 = (sid * _NC + cid) * SPAN
        slots = ((idx0, x0, gsem0, wsem0), (idx1, x1, gsem1, wsem1))

        def issue(k, s):
            idx_v, x_v, gsem, wsem = slots[s]

            @pl.when(k >= 2)
            def _():
                pltpu.make_async_copy(
                    x_v, out.at[0, pl.ds(0, _CH)], wsem).wait()

            c = k // B
            bb = k - c * B
            base = pl.multiple_of(p0 + c * _CH, _CH)
            pltpu.sync_copy(ids.at[bb, pl.ds(base, _CH)], idx_v)
            pltpu.async_copy(word.at[idx_v], x_v, gsem)

        def drain_and_write(k, s):
            idx_v, x_v, gsem, wsem = slots[s]
            c = k // B
            bb = k - c * B
            base = pl.multiple_of(p0 + c * _CH, _CH)
            pltpu.make_async_copy(word.at[idx_v], x_v, gsem).wait()
            pltpu.async_copy(x_v, out.at[bb, pl.ds(base, _CH)], wsem)

        issue(0, 0)

        def pair_body(i, carry):
            k0 = i * 2
            issue(k0 + 1, 1)
            drain_and_write(k0, 0)

            @pl.when(k0 + 2 < K)
            def _():
                issue(k0 + 2, 0)

            drain_and_write(k0 + 1, 1)
            return carry

        lax.fori_loop(0, K // 2, pair_body, 0)
        pltpu.make_async_copy(x0, out.at[0, pl.ds(0, _CH)], wsem0).wait()
        pltpu.make_async_copy(x1, out.at[0, pl.ds(0, _CH)], wsem1).wait()

    return pl.kernel(
        body,
        out_type=jax.ShapeDtypeStruct((B, S, H), jnp.float32),
        mesh=mesh,
        compiler_params=pltpu.CompilerParams(needs_layout_passes=False,
                                             has_side_effects=False),
        scratch_types=[
            pltpu.VMEM((_CH,), jnp.int32),
            pltpu.VMEM((_CH,), jnp.int32),
            pltpu.VMEM((_CH, H), jnp.float32),
            pltpu.VMEM((_CH, H), jnp.float32),
            pltpu.SemaphoreType.DMA,
            pltpu.SemaphoreType.DMA,
            pltpu.SemaphoreType.DMA,
            pltpu.SemaphoreType.DMA,
        ],
    )


def _ln_body_alias(buf_ref, g_ref, pos_ref, ttf_ref, te_ref, gamma_ref,
                   beta_ref, out_ref):
    del buf_ref
    _ln_body(g_ref, pos_ref, ttf_ref, te_ref, gamma_ref, beta_ref, out_ref)


def _ln_body(g_ref, pos_ref, ttf_ref, te_ref, gamma_ref, beta_ref, out_ref):
    H = g_ref.shape[-1]
    x = g_ref[0] + pos_ref[...]
    t0 = te_ref[0:1, :]
    td = te_ref[1:2, :] - t0
    ttf = ttf_ref[0, 0, 0].reshape(-1, 1)
    x = x + t0 + ttf * td
    s1 = jnp.sum(x, axis=1, keepdims=True)
    s2 = jnp.sum(x * x, axis=1, keepdims=True)
    m = s1 * (1.0 / H)
    var = s2 * (1.0 / H) - m * m
    y = (x - m) * lax.rsqrt(var + _EPS) * gamma_ref[...] + beta_ref[...]
    out_ref[0] = y


@functools.lru_cache(maxsize=None)
def _make_ln_kernel(B, S, H, SC, s_off, aliased):
    grid = (SC // _TB, B)
    soff_b = s_off // _TB
    specs = [
        pl.BlockSpec((1, _TB, H), lambda s, b: (b, s, 0)),
        pl.BlockSpec((_TB, H), lambda s, b: (s, 0)),
        pl.BlockSpec((1, 1, 1, _TB), lambda s, b: (b, s, 0, 0)),
        pl.BlockSpec((2, H), lambda s, b: (0, 0)),
        pl.BlockSpec((1, H), lambda s, b: (0, 0)),
        pl.BlockSpec((1, H), lambda s, b: (0, 0)),
    ]
    if aliased:
        specs = [pl.BlockSpec(memory_space=pltpu.MemorySpace.HBM)] + specs
    return pl.pallas_call(
        _ln_body_alias if aliased else _ln_body,
        grid=grid,
        in_specs=specs,
        out_specs=pl.BlockSpec((1, _TB, H),
                               lambda s, b: (b, s + soff_b, 0)),
        out_shape=jax.ShapeDtypeStruct((B, S, H), jnp.float32),
        input_output_aliases={0: 0} if aliased else {},
        compiler_params=pltpu.CompilerParams(
            dimension_semantics=("parallel", "parallel")),
    )


_NSPLIT = 2


def kernel(input_ids, token_type_ids, word_emb, pos_emb, type_emb,
           gamma, beta):
    B, S = input_ids.shape
    VOCAB, H = word_emb.shape
    SC = S // _NSPLIT
    ids = input_ids.astype(jnp.int32)
    ttf = token_type_ids.astype(jnp.float32)
    g2 = gamma.reshape(1, H)
    b2 = beta.reshape(1, H)
    gathered = [
        _make_gather_kernel(B, SC, H, VOCAB)(ids[:, i * SC:(i + 1) * SC],
                                             word_emb)
        for i in range(_NSPLIT)
    ]
    out = None
    for i in range(_NSPLIT):
        s0 = i * SC
        ttf_i = ttf[:, s0:s0 + SC].reshape(B, SC // _TB, 1, _TB)
        args = (gathered[i], pos_emb[s0:s0 + SC], ttf_i, type_emb, g2, b2)
        if i == 0:
            out = _make_ln_kernel(B, S, H, SC, s0, False)(*args)
        else:
            out = _make_ln_kernel(B, S, H, SC, s0, True)(out, *args)
    return out

# --- scband reference (transcript-rebuilt; emitter-appended) ---
"""Pipeline reference for scband-bert-embeddings-28724741275734 (READ-ONLY COPY).

The authoritative reference and input builder live on the scoring server;
editing this copy changes nothing except your own understanding.
"""

import jax, jax.numpy as jnp
import numpy as np

VOCAB = 100000
HIDDEN = 768
MAXPOS = 8192
TYPES = 2
B = 4
S = 8192
EPS = 1e-12


def setup_inputs(seed: int = 0) -> dict:
    key = jax.random.key(seed)
    k1, k2, k3, k4, k5 = jax.random.split(key, 5)
    return {
        "input_ids": jax.random.randint(k1, (B, S), 0, VOCAB, dtype=jnp.int64 if jax.config.jax_enable_x64 else jnp.int32),
        "token_type_ids": jax.random.randint(k2, (B, S), 0, TYPES, dtype=jnp.int64 if jax.config.jax_enable_x64 else jnp.int32),
        "word_emb": (jax.random.normal(k3, (VOCAB, HIDDEN), dtype=jnp.float32) * 0.02),
        "pos_emb": (jax.random.normal(k4, (MAXPOS, HIDDEN), dtype=jnp.float32) * 0.02),
        "type_emb": (jax.random.normal(k5, (TYPES, HIDDEN), dtype=jnp.float32) * 0.02),
        "gamma": jnp.ones((HIDDEN,), dtype=jnp.float32),
        "beta": jnp.zeros((HIDDEN,), dtype=jnp.float32),
    }


def reference(input_ids, token_type_ids, word_emb, pos_emb, type_emb, gamma, beta):
    # position_ids = arange(seq_len) broadcast over batch (get_position_ids)
    seq_len = input_ids.shape[1]
    position_ids = jnp.broadcast_to(jnp.arange(seq_len, dtype=input_ids.dtype), input_ids.shape)
    words_embeddings = jnp.take(word_emb, input_ids, axis=0)
    position_embeddings = jnp.take(pos_emb, position_ids, axis=0)
    token_type_embeddings = jnp.take(type_emb, token_type_ids, axis=0)
    embeddings = words_embeddings + position_embeddings + token_type_embeddings
    # BertLayerNorm with eps=1e-12
    mean = jnp.mean(embeddings, axis=-1, keepdims=True)
    var = jnp.mean(jnp.square(embeddings - mean), axis=-1, keepdims=True)
    normed = (embeddings - mean) / jnp.sqrt(var + EPS)
    out = normed * gamma + beta
    # dropout is identity in eval mode
    return out

if __name__ == "__main__":
    import jax
    _d = setup_inputs()
    print(jax.jit(kernel)(*tuple(_d.values())))

</pallas_src>

<mosaic_0001>
#map = affine_map<(d0, d1) -> (0, 0)>
#map1 = affine_map<(d0, d1) -> (0, 0, 0)>
module attributes {stable_mosaic.version = 14 : i64} {
  func.func @body(%arg0: i32, %arg1: i32, %arg2: memref<4x4096xi32, #tpu.memory_space<hbm>>, %arg3: memref<100000x768xf32, #tpu.memory_space<hbm>>, %arg4: memref<4x4096x768xf32, #tpu.memory_space<hbm>>, %arg5: memref<64xi32, #tpu.memory_space<vmem>>, %arg6: memref<64xi32, #tpu.memory_space<vmem>>, %arg7: memref<64x768xf32, #tpu.memory_space<vmem>>, %arg8: memref<64x768xf32, #tpu.memory_space<vmem>>, %arg9: memref<!tpu.dma_semaphore, #tpu.memory_space<semaphore_mem>>, %arg10: memref<!tpu.dma_semaphore, #tpu.memory_space<semaphore_mem>>, %arg11: memref<!tpu.dma_semaphore, #tpu.memory_space<semaphore_mem>>, %arg12: memref<!tpu.dma_semaphore, #tpu.memory_space<semaphore_mem>>) attributes {dimension_semantics = [#tpu.dimension_semantics<core_parallel>, #tpu.dimension_semantics<subcore_parallel>], iteration_bounds = array<i64: 2, 16>, scalar_prefetch = 0 : i64, scratch_operands = 8 : i64, tpu.core_type = #tpu.core_type<sc_vector_subcore>, window_params = [{transform_indices = #map}, {transform_indices = #map}, {transform_indices = #map1}]} {
    %mul3A = arith.constant 2 : i32
    %mul3A_0 = arith.muli %arg1, %mul3A : i32
    %add3A = arith.addi %mul3A_0, %arg0 : i32
    %mul3A_1 = arith.constant 128 : i32
    %mul3A_2 = arith.muli %add3A, %mul3A_1 : i32
    %add3A_3 = arith.constant 0 : i32
    %add3A_4 = arith.addi %mul3A_2, %add3A_3 : i32
    %multiple_of3A = tpu.assume_multiple %add3A_4, 64 : i32
    %run_scoped3A = arith.constant 0 : i32
    "tpu.region"() ({
      %run_scoped3A_29 = tpu.sem_alloc : memref<!tpu.dma_semaphore, #tpu.memory_space<semaphore_mem>>
      %dma_start3A_30 = tpu.memref_slice %arg2[%run_scoped3A, %multiple_of3A] : memref<4x4096xi32, #tpu.memory_space<hbm>> -> memref<1x64xi32, #tpu.memory_space<hbm>>
      %dma_start3A_31 = tpu.memref_squeeze %dma_start3A_30 : memref<1x64xi32, #tpu.memory_space<hbm>> -> memref<64xi32, #tpu.memory_space<hbm>>
      %dma_start3A_32 = tpu.memref_slice %arg2[%run_scoped3A, %multiple_of3A] : memref<4x4096xi32, #tpu.memory_space<hbm>> -> memref<1x64xi32, #tpu.memory_space<hbm>>
      %dma_start3A_33 = tpu.memref_squeeze %dma_start3A_32 : memref<1x64xi32, #tpu.memory_space<hbm>> -> memref<64xi32, #tpu.memory_space<hbm>>
      tpu.enqueue_dma source(%dma_start3A_33 : memref<64xi32, #tpu.memory_space<hbm>>) target(%arg5 : memref<64xi32, #tpu.memory_space<vmem>>) target_semaphore(%run_scoped3A_29 : memref<!tpu.dma_semaphore, #tpu.memory_space<semaphore_mem>>)
      %dma_wait3A_34 = tpu.memref_slice %arg2[%run_scoped3A, %multiple_of3A] : memref<4x4096xi32, #tpu.memory_space<hbm>> -> memref<1x64xi32, #tpu.memory_space<hbm>>
      %dma_wait3A_35 = tpu.memref_squeeze %dma_wait3A_34 : memref<1x64xi32, #tpu.memory_space<hbm>> -> memref<64xi32, #tpu.memory_space<hbm>>
      %dma_wait3A_36 = tpu.memref_slice %arg2[%run_scoped3A, %multiple_of3A] : memref<4x4096xi32, #tpu.memory_space<hbm>> -> memref<1x64xi32, #tpu.memory_space<hbm>>
      %dma_wait3A_37 = tpu.memref_squeeze %dma_wait3A_36 : memref<1x64xi32, #tpu.memory_space<hbm>> -> memref<64xi32, #tpu.memory_space<hbm>>
      tpu.wait_dma2 semaphore(%run_scoped3A_29 : memref<!tpu.dma_semaphore, #tpu.memory_space<semaphore_mem>>) src(%dma_wait3A_37 : memref<64xi32, #tpu.memory_space<hbm>>) dst(%arg5 : memref<64xi32, #tpu.memory_space<vmem>>)
      tpu.yield
    }) : () -> ()
    %dma_start3A = arith.constant 0 : i32
    %dma_start3A_5 = arith.constant 0 : i32
    %dma_start3A_6 = tpu.memref_slice %arg3[%dma_start3A, %dma_start3A_5] : memref<100000x768xf32, #tpu.memory_space<hbm>> -> memref<100000x768xf32, #tpu.memory_space<hbm>>
    tpu.enqueue_indirect_dma source(%dma_start3A_6 : memref<100000x768xf32, #tpu.memory_space<hbm>>) target(%arg7 : memref<64x768xf32, #tpu.memory_space<vmem>>) offsets(%arg5 : memref<64xi32, #tpu.memory_space<vmem>>) semaphore(%arg9 : memref<!tpu.dma_semaphore, #tpu.memory_space<semaphore_mem>>)
    %scan3A = arith.constant 0 : i32
    %scan3A_7 = arith.constant 0 : i32
    %scan3A_8 = arith.constant 4 : i32
    %scan3A_9 = arith.addi %scan3A_7, %scan3A_8 : i32
    %scan3A_10 = arith.constant 1 : i32
    scf.for %scan3A_29 = %scan3A_7 to %scan3A_9 step %scan3A_10  : i32 {
      %mul3A_30 = arith.constant 2 : i32
      %mul3A_31 = arith.muli %scan3A_29, %mul3A_30 : i32
      %add3A_32 = arith.constant 1 : i32
      %add3A_33 = arith.addi %mul3A_31, %add3A_32 : i32
      %ge3A = arith.constant 2 : i32
      %ge3A_34 = arith.cmpi sge, %add3A_33, %ge3A : i32
      %convert_element_type3A = arith.extui %ge3A_34 : i1 to i32
      %cond3A = arith.constant 0 : i32
      %cond3A_35 = arith.cmpi ne, %convert_element_type3A, %cond3A : i32
      scf.if %cond3A_35 {
        %dma_wait3A_150 = arith.constant 0 : i32
        %dma_wait3A_151 = arith.constant 0 : i32
        %dma_wait3A_152 = arith.constant 0 : i32
        %dma_wait3A_153 = tpu.memref_slice %arg4[%dma_wait3A_150, %dma_wait3A_151, %dma_wait3A_152] : memref<4x4096x768xf32, #tpu.memory_space<hbm>> -> memref<1x64x768xf32, #tpu.memory_space<hbm>>
        %dma_wait3A_154 = tpu.memref_squeeze %dma_wait3A_153 : memref<1x64x768xf32, #tpu.memory_space<hbm>> -> memref<64x768xf32, #tpu.memory_space<hbm>>
        %dma_wait3A_155 = arith.constant 0 : i32
        %dma_wait3A_156 = arith.constant 0 : i32
        %dma_wait3A_157 = tpu.memref_slice %arg4[%dma_wait3A_150, %dma_wait3A_155, %dma_wait3A_156] : memref<4x4096x768xf32, #tpu.memory_space<hbm>> -> memref<1x64x768xf32, #tpu.memory_space<hbm>>
        %dma_wait3A_158 = tpu.memref_squeeze %dma_wait3A_157 : memref<1x64x768xf32, #tpu.memory_space<hbm>> -> memref<64x768xf32, #tpu.memory_space<hbm>>
        tpu.wait_dma2 semaphore(%arg12 : memref<!tpu.dma_semaphore, #tpu.memory_space<semaphore_mem>>) src(%arg8 : memref<64x768xf32, #tpu.memory_space<vmem>>) dst(%dma_wait3A_158 : memref<64x768xf32, #tpu.memory_space<hbm>>)
      } else {
      }
      %jit3A = arith.constant 4 : i32
      %div3A = arith.divsi %add3A_33, %jit3A : i32
      %sign3A = arith.constant 0 : i32
      %sign3A_36 = arith.cmpi sgt, %add3A_33, %sign3A : i32
      %sign3A_37 = arith.extui %sign3A_36 : i1 to i32
      %sign3A_38 = arith.constant 0 : i32
      %sign3A_39 = arith.cmpi slt, %add3A_33, %sign3A_38 : i32
      %sign3A_40 = arith.extui %sign3A_39 : i1 to i32
      %sign3A_41 = arith.subi %sign3A_37, %sign3A_40 : i32
      %sign3A_42 = arith.constant 0 : i32
      %sign3A_43 = arith.cmpi sgt, %jit3A, %sign3A_42 : i32
      %sign3A_44 = arith.extui %sign3A_43 : i1 to i32
      %sign3A_45 = arith.constant 0 : i32
      %sign3A_46 = arith.cmpi slt, %jit3A, %sign3A_45 : i32
      %sign3A_47 = arith.extui %sign3A_46 : i1 to i32
      %sign3A_48 = arith.subi %sign3A_44, %sign3A_47 : i32
      %ne3A = arith.cmpi ne, %sign3A_41, %sign3A_48 : i32
      %rem3A = arith.remsi %add3A_33, %jit3A : i32
      %ne3A_49 = arith.constant 0 : i32
      %ne3A_50 = arith.cmpi ne, %rem3A, %ne3A_49 : i32
      %and3A = arith.andi %ne3A, %ne3A_50 : i1
      %sub3A = arith.constant 1 : i32
      %sub3A_51 = arith.subi %div3A, %sub3A : i32
      %select_n3A = arith.select %and3A, %sub3A_51, %div3A : i32
      %mul3A_52 = arith.constant 4 : i32
      %mul3A_53 = arith.muli %select_n3A, %mul3A_52 : i32
      %sub3A_54 = arith.subi %add3A_33, %mul3A_53 : i32
      %mul3A_55 = arith.constant 64 : i32
      %mul3A_56 = arith.muli %select_n3A, %mul3A_55 : i32
      %add3A_57 = arith.addi %mul3A_2, %mul3A_56 : i32
      %multiple_of3A_58 = tpu.assume_multiple %add3A_57, 64 : i32
      "tpu.region"() ({
        %run_scoped3A_150 = tpu.sem_alloc : memref<!tpu.dma_semaphore, #tpu.memory_space<semaphore_mem>>
        %dma_start3A_151 = tpu.memref_slice %arg2[%sub3A_54, %multiple_of3A_58] : memref<4x4096xi32, #tpu.memory_space<hbm>> -> memref<1x64xi32, #tpu.memory_space<hbm>>
        %dma_start3A_152 = tpu.memref_squeeze %dma_start3A_151 : memref<1x64xi32, #tpu.memory_space<hbm>> -> memref<64xi32, #tpu.memory_space<hbm>>
        %dma_start3A_153 = tpu.memref_slice %arg2[%sub3A_54, %multiple_of3A_58] : memref<4x4096xi32, #tpu.memory_space<hbm>> -> memref<1x64xi32, #tpu.memory_space<hbm>>
        %dma_start3A_154 = tpu.memref_squeeze %dma_start3A_153 : memref<1x64xi32, #tpu.memory_space<hbm>> -> memref<64xi32, #tpu.memory_space<hbm>>
        tpu.enqueue_dma source(%dma_start3A_154 : memref<64xi32, #tpu.memory_space<hbm>>) target(%arg6 : memref<64xi32, #tpu.memory_space<vmem>>) target_semaphore(%run_scoped3A_150 : memref<!tpu.dma_semaphore, #tpu.memory_space<semaphore_mem>>)
        %dma_wait3A_155 = tpu.memref_slice %arg2[%sub3A_54, %multiple_of3A_58] : memref<4x4096xi32, #tpu.memory_space<hbm>> -> memref<1x64xi32, #tpu.memory_space<hbm>>
        %dma_wait3A_156 = tpu.memref_squeeze %dma_wait3A_155 : memref<1x64xi32, #tpu.memory_space<hbm>> -> memref<64xi32, #tpu.memory_space<hbm>>
        %dma_wait3A_157 = tpu.memref_slice %arg2[%sub3A_54, %multiple_of3A_58] : memref<4x4096xi32, #tpu.memory_space<hbm>> -> memref<1x64xi32, #tpu.memory_space<hbm>>
        %dma_wait3A_158 = tpu.memref_squeeze %dma_wait3A_157 : memref<1x64xi32, #tpu.memory_space<hbm>> -> memref<64xi32, #tpu.memory_space<hbm>>
        tpu.wait_dma2 semaphore(%run_scoped3A_150 : memref<!tpu.dma_semaphore, #tpu.memory_space<semaphore_mem>>) src(%dma_wait3A_158 : memref<64xi32, #tpu.memory_space<hbm>>) dst(%arg6 : memref<64xi32, #tpu.memory_space<vmem>>)
        tpu.yield
      }) : () -> ()
      %dma_start3A_59 = arith.constant 0 : i32
      %dma_start3A_60 = arith.constant 0 : i32
      %dma_start3A_61 = tpu.memref_slice %arg3[%dma_start3A_59, %dma_start3A_60] : memref<100000x768xf32, #tpu.memory_space<hbm>> -> memref<100000x768xf32, #tpu.memory_space<hbm>>
      tpu.enqueue_indirect_dma source(%dma_start3A_61 : memref<100000x768xf32, #tpu.memory_space<hbm>>) target(%arg8 : memref<64x768xf32, #tpu.memory_space<vmem>>) offsets(%arg6 : memref<64xi32, #tpu.memory_space<vmem>>) semaphore(%arg10 : memref<!tpu.dma_semaphore, #tpu.memory_space<semaphore_mem>>)
      %jit3A_62 = arith.constant 4 : i32
      %div3A_63 = arith.divsi %mul3A_31, %jit3A_62 : i32
      %sign3A_64 = arith.constant 0 : i32
      %sign3A_65 = arith.cmpi sgt, %mul3A_31, %sign3A_64 : i32
      %sign3A_66 = arith.extui %sign3A_65 : i1 to i32
      %sign3A_67 = arith.constant 0 : i32
      %sign3A_68 = arith.cmpi slt, %mul3A_31, %sign3A_67 : i32
      %sign3A_69 = arith.extui %sign3A_68 : i1 to i32
      %sign3A_70 = arith.subi %sign3A_66, %sign3A_69 : i32
      %sign3A_71 = arith.constant 0 : i32
      %sign3A_72 = arith.cmpi sgt, %jit3A_62, %sign3A_71 : i32
      %sign3A_73 = arith.extui %sign3A_72 : i1 to i32
      %sign3A_74 = arith.constant 0 : i32
      %sign3A_75 = arith.cmpi slt, %jit3A_62, %sign3A_74 : i32
      %sign3A_76 = arith.extui %sign3A_75 : i1 to i32
      %sign3A_77 = arith.subi %sign3A_73, %sign3A_76 : i32
      %ne3A_78 = arith.cmpi ne, %sign3A_70, %sign3A_77 : i32
      %rem3A_79 = arith.remsi %mul3A_31, %jit3A_62 : i32
      %ne3A_80 = arith.constant 0 : i32
      %ne3A_81 = arith.cmpi ne, %rem3A_79, %ne3A_80 : i32
      %and3A_82 = arith.andi %ne3A_78, %ne3A_81 : i1
      %sub3A_83 = arith.constant 1 : i32
      %sub3A_84 = arith.subi %div3A_63, %sub3A_83 : i32
      %select_n3A_85 = arith.select %and3A_82, %sub3A_84, %div3A_63 : i32
      %mul3A_86 = arith.constant 4 : i32
      %mul3A_87 = arith.muli %select_n3A_85, %mul3A_86 : i32
      %sub3A_88 = arith.subi %mul3A_31, %mul3A_87 : i32
      %mul3A_89 = arith.constant 64 : i32
      %mul3A_90 = arith.muli %select_n3A_85, %mul3A_89 : i32
      %add3A_91 = arith.addi %mul3A_2, %mul3A_90 : i32
      %multiple_of3A_92 = tpu.assume_multiple %add3A_91, 64 : i32
      %dma_wait3A_93 = arith.constant 0 : i32
      %dma_wait3A_94 = arith.constant 0 : i32
      %dma_wait3A_95 = tpu.memref_slice %arg3[%dma_wait3A_93, %dma_wait3A_94] : memref<100000x768xf32, #tpu.memory_space<hbm>> -> memref<100000x768xf32, #tpu.memory_space<hbm>>
      tpu.wait_indirect_dma semaphore(%arg9 : memref<!tpu.dma_semaphore, #tpu.memory_space<semaphore_mem>>) src(%dma_wait3A_95 : memref<100000x768xf32, #tpu.memory_space<hbm>>) dst(%arg7 : memref<64x768xf32, #tpu.memory_space<vmem>>)
      %dma_start3A_96 = arith.constant 0 : i32
      %dma_start3A_97 = tpu.memref_slice %arg4[%sub3A_88, %multiple_of3A_92, %dma_start3A_96] : memref<4x4096x768xf32, #tpu.memory_space<hbm>> -> memref<1x64x768xf32, #tpu.memory_space<hbm>>
      %dma_start3A_98 = tpu.memref_squeeze %dma_start3A_97 : memref<1x64x768xf32, #tpu.memory_space<hbm>> -> memref<64x768xf32, #tpu.memory_space<hbm>>
      %dma_start3A_99 = arith.constant 0 : i32
      %dma_start3A_100 = tpu.memref_slice %arg4[%sub3A_88, %multiple_of3A_92, %dma_start3A_99] : memref<4x4096x768xf32, #tpu.memory_space<hbm>> -> memref<1x64x768xf32, #tpu.memory_space<hbm>>
      %dma_start3A_101 = tpu.memref_squeeze %dma_start3A_100 : memref<1x64x768xf32, #tpu.memory_space<hbm>> -> memref<64x768xf32, #tpu.memory_space<hbm>>
      tpu.enqueue_dma source(%arg7 : memref<64x768xf32, #tpu.memory_space<vmem>>) target(%dma_start3A_101 : memref<64x768xf32, #tpu.memory_space<hbm>>) target_semaphore(%arg11 : memref<!tpu.dma_semaphore, #tpu.memory_space<semaphore_mem>>)
      %add3A_102 = arith.constant 2 : i32
      %add3A_103 = arith.addi %mul3A_31, %add3A_102 : i32
      %lt3A = arith.constant 8 : i32
      %lt3A_104 = arith.cmpi slt, %add3A_103, %lt3A : i32
      %convert_element_type3A_105 = arith.extui %lt3A_104 : i1 to i32
      %cond3A_106 = arith.constant 0 : i32
      %cond3A_107 = arith.cmpi ne, %convert_element_type3A_105, %cond3A_106 : i32
      scf.if %cond3A_107 {
        %add3A_150 = arith.constant 2 : i32
        %add3A_151 = arith.addi %mul3A_31, %add3A_150 : i32
        %ge3A_152 = arith.constant 2 : i32
        %ge3A_153 = arith.cmpi sge, %add3A_151, %ge3A_152 : i32
        %convert_element_type3A_154 = arith.extui %ge3A_153 : i1 to i32
        %cond3A_155 = arith.constant 0 : i32
        %cond3A_156 = arith.cmpi ne, %convert_element_type3A_154, %cond3A_155 : i32
        scf.if %cond3A_156 {
          %dma_wait3A_191 = arith.constant 0 : i32
          %dma_wait3A_192 = arith.constant 0 : i32
          %dma_wait3A_193 = arith.constant 0 : i32
          %dma_wait3A_194 = tpu.memref_slice %arg4[%dma_wait3A_191, %dma_wait3A_192, %dma_wait3A_193] : memref<4x4096x768xf32, #tpu.memory_space<hbm>> -> memref<1x64x768xf32, #tpu.memory_space<hbm>>
          %dma_wait3A_195 = tpu.memref_squeeze %dma_wait3A_194 : memref<1x64x768xf32, #tpu.memory_space<hbm>> -> memref<64x768xf32, #tpu.memory_space<hbm>>
          %dma_wait3A_196 = arith.constant 0 : i32
          %dma_wait3A_197 = arith.constant 0 : i32
          %dma_wait3A_198 = tpu.memref_slice %arg4[%dma_wait3A_191, %dma_wait3A_196, %dma_wait3A_197] : memref<4x4096x768xf32, #tpu.memory_space<hbm>> -> memref<1x64x768xf32, #tpu.memory_space<hbm>>
          %dma_wait3A_199 = tpu.memref_squeeze %dma_wait3A_198 : memref<1x64x768xf32, #tpu.memory_space<hbm>> -> memref<64x768xf32, #tpu.memory_space<hbm>>
          tpu.wait_dma2 semaphore(%arg11 : memref<!tpu.dma_semaphore, #tpu.memory_space<semaphore_mem>>) src(%arg7 : memref<64x768xf32, #tpu.memory_space<vmem>>) dst(%dma_wait3A_199 : memref<64x768xf32, #tpu.memory_space<hbm>>)
        } else {
        }
        %jit3A_157 = arith.constant 4 : i32
        %div3A_158 = arith.divsi %add3A_151, %jit3A_157 : i32
        %sign3A_159 = arith.constant 0 : i32
        %sign3A_160 = arith.cmpi sgt, %add3A_151, %sign3A_159 : i32
        %sign3A_161 = arith.extui %sign3A_160 : i1 to i32
        %sign3A_162 = arith.constant 0 : i32
        %sign3A_163 = arith.cmpi slt, %add3A_151, %sign3A_162 : i32
        %sign3A_164 = arith.extui %sign3A_163 : i1 to i32
        %sign3A_165 = arith.subi %sign3A_161, %sign3A_164 : i32
        %sign3A_166 = arith.constant 0 : i32
        %sign3A_167 = arith.cmpi sgt, %jit3A_157, %sign3A_166 : i32
        %sign3A_168 = arith.extui %sign3A_167 : i1 to i32
        %sign3A_169 = arith.constant 0 : i32
        %sign3A_170 = arith.cmpi slt, %jit3A_157, %sign3A_169 : i32
        %sign3A_171 = arith.extui %sign3A_170 : i1 to i32
        %sign3A_172 = arith.subi %sign3A_168, %sign3A_171 : i32
        %ne3A_173 = arith.cmpi ne, %sign3A_165, %sign3A_172 : i32
        %rem3A_174 = arith.remsi %add3A_151, %jit3A_157 : i32
        %ne3A_175 = arith.constant 0 : i32
        %ne3A_176 = arith.cmpi ne, %rem3A_174, %ne3A_175 : i32
        %and3A_177 = arith.andi %ne3A_173, %ne3A_176 : i1
        %sub3A_178 = arith.constant 1 : i32
        %sub3A_179 = arith.subi %div3A_158, %sub3A_178 : i32
        %select_n3A_180 = arith.select %and3A_177, %sub3A_179, %div3A_158 : i32
        %mul3A_181 = arith.constant 4 : i32
        %mul3A_182 = arith.muli %select_n3A_180, %mul3A_181 : i32
        %sub3A_183 = arith.subi %add3A_151, %mul3A_182 : i32
        %mul3A_184 = arith.constant 64 : i32
        %mul3A_185 = arith.muli %select_n3A_180, %mul3A_184 : i32
        %add3A_186 = arith.addi %mul3A_2, %mul3A_185 : i32
        %multiple_of3A_187 = tpu.assume_multiple %add3A_186, 64 : i32
        "tpu.region"() ({
          %run_scoped3A_191 = tpu.sem_alloc : memref<!tpu.dma_semaphore, #tpu.memory_space<semaphore_mem>>
          %dma_start3A_192 = tpu.memref_slice %arg2[%sub3A_183, %multiple_of3A_187] : memref<4x4096xi32, #tpu.memory_space<hbm>> -> memref<1x64xi32, #tpu.memory_space<hbm>>
          %dma_start3A_193 = tpu.memref_squeeze %dma_start3A_192 : memref<1x64xi32, #tpu.memory_space<hbm>> -> memref<64xi32, #tpu.memory_space<hbm>>
          %dma_start3A_194 = tpu.memref_slice %arg2[%sub3A_183, %multiple_of3A_187] : memref<4x4096xi32, #tpu.memory_space<hbm>> -> memref<1x64xi32, #tpu.memory_space<hbm>>
          %dma_start3A_195 = tpu.memref_squeeze %dma_start3A_194 : memref<1x64xi32, #tpu.memory_space<hbm>> -> memref<64xi32, #tpu.memory_space<hbm>>
          tpu.enqueue_dma source(%dma_start3A_195 : memref<64xi32, #tpu.memory_space<hbm>>) target(%arg5 : memref<64xi32, #tpu.memory_space<vmem>>) target_semaphore(%run_scoped3A_191 : memref<!tpu.dma_semaphore, #tpu.memory_space<semaphore_mem>>)
          %dma_wait3A_196 = tpu.memref_slice %arg2[%sub3A_183, %multiple_of3A_187] : memref<4x4096xi32, #tpu.memory_space<hbm>> -> memref<1x64xi32, #tpu.memory_space<hbm>>
          %dma_wait3A_197 = tpu.memref_squeeze %dma_wait3A_196 : memref<1x64xi32, #tpu.memory_space<hbm>> -> memref<64xi32, #tpu.memory_space<hbm>>
          %dma_wait3A_198 = tpu.memref_slice %arg2[%sub3A_183, %multiple_of3A_187] : memref<4x4096xi32, #tpu.memory_space<hbm>> -> memref<1x64xi32, #tpu.memory_space<hbm>>
          %dma_wait3A_199 = tpu.memref_squeeze %dma_wait3A_198 : memref<1x64xi32, #tpu.memory_space<hbm>> -> memref<64xi32, #tpu.memory_space<hbm>>
          tpu.wait_dma2 semaphore(%run_scoped3A_191 : memref<!tpu.dma_semaphore, #tpu.memory_space<semaphore_mem>>) src(%dma_wait3A_199 : memref<64xi32, #tpu.memory_space<hbm>>) dst(%arg5 : memref<64xi32, #tpu.memory_space<vmem>>)
          tpu.yield
        }) : () -> ()
        %dma_start3A_188 = arith.constant 0 : i32
        %dma_start3A_189 = arith.constant 0 : i32
        %dma_start3A_190 = tpu.memref_slice %arg3[%dma_start3A_188, %dma_start3A_189] : memref<100000x768xf32, #tpu.memory_space<hbm>> -> memref<100000x768xf32, #tpu.memory_space<hbm>>
        tpu.enqueue_indirect_dma source(%dma_start3A_190 : memref<100000x768xf32, #tpu.memory_space<hbm>>) target(%arg7 : memref<64x768xf32, #tpu.memory_space<vmem>>) offsets(%arg5 : memref<64xi32, #tpu.memory_space<vmem>>) semaphore(%arg9 : memref<!tpu.dma_semaphore, #tpu.memory_space<semaphore_mem>>)
      } else {
      }
      %add3A_108 = arith.constant 1 : i32
      %add3A_109 = arith.addi %mul3A_31, %add3A_108 : i32
      %jit3A_110 = arith.constant 4 : i32
      %div3A_111 = arith.divsi %add3A_109, %jit3A_110 : i32
      %sign3A_112 = arith.constant 0 : i32
      %sign3A_113 = arith.cmpi sgt, %add3A_109, %sign3A_112 : i32
      %sign3A_114 = arith.extui %sign3A_113 : i1 to i32
      %sign3A_115 = arith.constant 0 : i32
      %sign3A_116 = arith.cmpi slt, %add3A_109, %sign3A_115 : i32
      %sign3A_117 = arith.extui %sign3A_116 : i1 to i32
      %sign3A_118 = arith.subi %sign3A_114, %sign3A_117 : i32
      %sign3A_119 = arith.constant 0 : i32
      %sign3A_120 = arith.cmpi sgt, %jit3A_110, %sign3A_119 : i32
      %sign3A_121 = arith.extui %sign3A_120 : i1 to i32
      %sign3A_122 = arith.constant 0 : i32
      %sign3A_123 = arith.cmpi slt, %jit3A_110, %sign3A_122 : i32
      %sign3A_124 = arith.extui %sign3A_123 : i1 to i32
      %sign3A_125 = arith.subi %sign3A_121, %sign3A_124 : i32
      %ne3A_126 = arith.cmpi ne, %sign3A_118, %sign3A_125 : i32
      %rem3A_127 = arith.remsi %add3A_109, %jit3A_110 : i32
      %ne3A_128 = arith.constant 0 : i32
      %ne3A_129 = arith.cmpi ne, %rem3A_127, %ne3A_128 : i32
      %and3A_130 = arith.andi %ne3A_126, %ne3A_129 : i1
      %sub3A_131 = arith.constant 1 : i32
      %sub3A_132 = arith.subi %div3A_111, %sub3A_131 : i32
      %select_n3A_133 = arith.select %and3A_130, %sub3A_132, %div3A_111 : i32
      %mul3A_134 = arith.constant 4 : i32
      %mul3A_135 = arith.muli %select_n3A_133, %mul3A_134 : i32
      %sub3A_136 = arith.subi %add3A_109, %mul3A_135 : i32
      %mul3A_137 = arith.constant 64 : i32
      %mul3A_138 = arith.muli %select_n3A_133, %mul3A_137 : i32
      %add3A_139 = arith.addi %mul3A_2, %mul3A_138 : i32
      %multiple_of3A_140 = tpu.assume_multiple %add3A_139, 64 : i32
      %dma_wait3A_141 = arith.constant 0 : i32
      %dma_wait3A_142 = arith.constant 0 : i32
      %dma_wait3A_143 = tpu.memref_slice %arg3[%dma_wait3A_141, %dma_wait3A_142] : memref<100000x768xf32, #tpu.memory_space<hbm>> -> memref<100000x768xf32, #tpu.memory_space<hbm>>
      tpu.wait_indirect_dma semaphore(%arg10 : memref<!tpu.dma_semaphore, #tpu.memory_space<semaphore_mem>>) src(%dma_wait3A_143 : memref<100000x768xf32, #tpu.memory_space<hbm>>) dst(%arg8 : memref<64x768xf32, #tpu.memory_space<vmem>>)
      %dma_start3A_144 = arith.constant 0 : i32
      %dma_start3A_145 = tpu.memref_slice %arg4[%sub3A_136, %multiple_of3A_140, %dma_start3A_144] : memref<4x4096x768xf32, #tpu.memory_space<hbm>> -> memref<1x64x768xf32, #tpu.memory_space<hbm>>
      %dma_start3A_146 = tpu.memref_squeeze %dma_start3A_145 : memref<1x64x768xf32, #tpu.memory_space<hbm>> -> memref<64x768xf32, #tpu.memory_space<hbm>>
      %dma_start3A_147 = arith.constant 0 : i32
      %dma_start3A_148 = tpu.memref_slice %arg4[%sub3A_136, %multiple_of3A_140, %dma_start3A_147] : memref<4x4096x768xf32, #tpu.memory_space<hbm>> -> memref<1x64x768xf32, #tpu.memory_space<hbm>>
      %dma_start3A_149 = tpu.memref_squeeze %dma_start3A_148 : memref<1x64x768xf32, #tpu.memory_space<hbm>> -> memref<64x768xf32, #tpu.memory_space<hbm>>
      tpu.enqueue_dma source(%arg8 : memref<64x768xf32, #tpu.memory_space<vmem>>) target(%dma_start3A_149 : memref<64x768xf32, #tpu.memory_space<hbm>>) target_semaphore(%arg12 : memref<!tpu.dma_semaphore, #tpu.memory_space<semaphore_mem>>)
    }
    %scan3A_11 = arith.constant 4 : i32
    %dma_wait3A = arith.constant 0 : i32
    %dma_wait3A_12 = arith.constant 0 : i32
    %dma_wait3A_13 = arith.constant 0 : i32
    %dma_wait3A_14 = tpu.memref_slice %arg4[%dma_wait3A, %dma_wait3A_12, %dma_wait3A_13] : memref<4x4096x768xf32, #tpu.memory_space<hbm>> -> memref<1x64x768xf32, #tpu.memory_space<hbm>>
    %dma_wait3A_15 = tpu.memref_squeeze %dma_wait3A_14 : memref<1x64x768xf32, #tpu.memory_space<hbm>> -> memref<64x768xf32, #tpu.memory_space<hbm>>
    %dma_wait3A_16 = arith.constant 0 : i32
    %dma_wait3A_17 = arith.constant 0 : i32
    %dma_wait3A_18 = tpu.memref_slice %arg4[%dma_wait3A, %dma_wait3A_16, %dma_wait3A_17] : memref<4x4096x768xf32, #tpu.memory_space<hbm>> -> memref<1x64x768xf32, #tpu.memory_space<hbm>>
    %dma_wait3A_19 = tpu.memref_squeeze %dma_wait3A_18 : memref<1x64x768xf32, #tpu.memory_space<hbm>> -> memref<64x768xf32, #tpu.memory_space<hbm>>
    tpu.wait_dma2 semaphore(%arg11 : memref<!tpu.dma_semaphore, #tpu.memory_space<semaphore_mem>>) src(%arg7 : memref<64x768xf32, #tpu.memory_space<vmem>>) dst(%dma_wait3A_19 : memref<64x768xf32, #tpu.memory_space<hbm>>)
    %dma_wait3A_20 = arith.constant 0 : i32
    %dma_wait3A_21 = arith.constant 0 : i32
    %dma_wait3A_22 = arith.constant 0 : i32
    %dma_wait3A_23 = tpu.memref_slice %arg4[%dma_wait3A_20, %dma_wait3A_21, %dma_wait3A_22] : memref<4x4096x768xf32, #tpu.memory_space<hbm>> -> memref<1x64x768xf32, #tpu.memory_space<hbm>>
    %dma_wait3A_24 = tpu.memref_squeeze %dma_wait3A_23 : memref<1x64x768xf32, #tpu.memory_space<hbm>> -> memref<64x768xf32, #tpu.memory_space<hbm>>
    %dma_wait3A_25 = arith.constant 0 : i32
    %dma_wait3A_26 = arith.constant 0 : i32
    %dma_wait3A_27 = tpu.memref_slice %arg4[%dma_wait3A_20, %dma_wait3A_25, %dma_wait3A_26] : memref<4x4096x768xf32, #tpu.memory_space<hbm>> -> memref<1x64x768xf32, #tpu.memory_space<hbm>>
    %dma_wait3A_28 = tpu.memref_squeeze %dma_wait3A_27 : memref<1x64x768xf32, #tpu.memory_space<hbm>> -> memref<64x768xf32, #tpu.memory_space<hbm>>
    tpu.wait_dma2 semaphore(%arg12 : memref<!tpu.dma_semaphore, #tpu.memory_space<semaphore_mem>>) src(%arg8 : memref<64x768xf32, #tpu.memory_space<vmem>>) dst(%dma_wait3A_28 : memref<64x768xf32, #tpu.memory_space<hbm>>)
    return
  }
}

#map = affine_map<(d0, d1) -> (0, 0)>
#map1 = affine_map<(d0, d1) -> (0, 0, 0)>
module attributes {stable_mosaic.version = 14 : i64} {
  func.func @body(%arg0: i32, %arg1: i32, %arg2: memref<4x4096xi32, #tpu.memory_space<hbm>>, %arg3: memref<100000x768xf32, #tpu.memory_space<hbm>>, %arg4: memref<4x4096x768xf32, #tpu.memory_space<hbm>>, %arg5: memref<64xi32, #tpu.memory_space<vmem>>, %arg6: memref<64xi32, #tpu.memory_space<vmem>>, %arg7: memref<64x768xf32, #tpu.memory_space<vmem>>, %arg8: memref<64x768xf32, #tpu.memory_space<vmem>>, %arg9: memref<!tpu.dma_semaphore, #tpu.memory_space<semaphore_mem>>, %arg10: memref<!tpu.dma_semaphore, #tpu.memory_space<semaphore_mem>>, %arg11: memref<!tpu.dma_semaphore, #tpu.memory_space<semaphore_mem>>, %arg12: memref<!tpu.dma_semaphore, #tpu.memory_space<semaphore_mem>>) attributes {dimension_semantics = [#tpu.dimension_semantics<core_parallel>, #tpu.dimension_semantics<subcore_parallel>], iteration_bounds = array<i64: 2, 16>, scalar_prefetch = 0 : i64, scratch_operands = 8 : i64, tpu.core_type = #tpu.core_type<sc_vector_subcore>, window_params = [{transform_indices = #map}, {transform_indices = #map}, {transform_indices = #map1}]} {
    %mul3A = arith.constant 2 : i32
    %mul3A_0 = arith.muli %arg1, %mul3A : i32
    %add3A = arith.addi %mul3A_0, %arg0 : i32
    %mul3A_1 = arith.constant 128 : i32
    %mul3A_2 = arith.muli %add3A, %mul3A_1 : i32
    %add3A_3 = arith.constant 0 : i32
    %add3A_4 = arith.addi %mul3A_2, %add3A_3 : i32
    %multiple_of3A = tpu.assume_multiple %add3A_4, 64 : i32
    %run_scoped3A = arith.constant 0 : i32
    "tpu.region"() ({
      %run_scoped3A_29 = tpu.sem_alloc : memref<!tpu.dma_semaphore, #tpu.memory_space<semaphore_mem>>
      %dma_start3A_30 = tpu.memref_slice %arg2[%run_scoped3A, %multiple_of3A] : memref<4x4096xi32, #tpu.memory_space<hbm>> -> memref<1x64xi32, #tpu.memory_space<hbm>>
      %dma_start3A_31 = tpu.memref_squeeze %dma_start3A_30 : memref<1x64xi32, #tpu.memory_space<hbm>> -> memref<64xi32, #tpu.memory_space<hbm>>
      %dma_start3A_32 = tpu.memref_slice %arg2[%run_scoped3A, %multiple_of3A] : memref<4x4096xi32, #tpu.memory_space<hbm>> -> memref<1x64xi32, #tpu.memory_space<hbm>>
      %dma_start3A_33 = tpu.memref_squeeze %dma_start3A_32 : memref<1x64xi32, #tpu.memory_space<hbm>> -> memref<64xi32, #tpu.memory_space<hbm>>
      tpu.enqueue_dma source(%dma_start3A_33 : memref<64xi32, #tpu.memory_space<hbm>>) target(%arg5 : memref<64xi32, #tpu.memory_space<vmem>>) target_semaphore(%run_scoped3A_29 : memref<!tpu.dma_semaphore, #tpu.memory_space<semaphore_mem>>)
      %dma_wait3A_34 = tpu.memref_slice %arg2[%run_scoped3A, %multiple_of3A] : memref<4x4096xi32, #tpu.memory_space<hbm>> -> memref<1x64xi32, #tpu.memory_space<hbm>>
      %dma_wait3A_35 = tpu.memref_squeeze %dma_wait3A_34 : memref<1x64xi32, #tpu.memory_space<hbm>> -> memref<64xi32, #tpu.memory_space<hbm>>
      %dma_wait3A_36 = tpu.memref_slice %arg2[%run_scoped3A, %multiple_of3A] : memref<4x4096xi32, #tpu.memory_space<hbm>> -> memref<1x64xi32, #tpu.memory_space<hbm>>
      %dma_wait3A_37 = tpu.memref_squeeze %dma_wait3A_36 : memref<1x64xi32, #tpu.memory_space<hbm>> -> memref<64xi32, #tpu.memory_space<hbm>>
      tpu.wait_dma2 semaphore(%run_scoped3A_29 : memref<!tpu.dma_semaphore, #tpu.memory_space<semaphore_mem>>) src(%dma_wait3A_37 : memref<64xi32, #tpu.memory_space<hbm>>) dst(%arg5 : memref<64xi32, #tpu.memory_space<vmem>>)
      tpu.yield
    }) : () -> ()
    %dma_start3A = arith.constant 0 : i32
    %dma_start3A_5 = arith.constant 0 : i32
    %dma_start3A_6 = tpu.memref_slice %arg3[%dma_start3A, %dma_start3A_5] : memref<100000x768xf32, #tpu.memory_space<hbm>> -> memref<100000x768xf32, #tpu.memory_space<hbm>>
    tpu.enqueue_indirect_dma source(%dma_start3A_6 : memref<100000x768xf32, #tpu.memory_space<hbm>>) target(%arg7 : memref<64x768xf32, #tpu.memory_space<vmem>>) offsets(%arg5 : memref<64xi32, #tpu.memory_space<vmem>>) semaphore(%arg9 : memref<!tpu.dma_semaphore, #tpu.memory_space<semaphore_mem>>)
    %scan3A = arith.constant 0 : i32
    %scan3A_7 = arith.constant 0 : i32
    %scan3A_8 = arith.constant 4 : i32
    %scan3A_9 = arith.addi %scan3A_7, %scan3A_8 : i32
    %scan3A_10 = arith.constant 1 : i32
    scf.for %scan3A_29 = %scan3A_7 to %scan3A_9 step %scan3A_10  : i32 {
      %mul3A_30 = arith.constant 2 : i32
      %mul3A_31 = arith.muli %scan3A_29, %mul3A_30 : i32
      %add3A_32 = arith.constant 1 : i32
      %add3A_33 = arith.addi %mul3A_31, %add3A_32 : i32
      %ge3A = arith.constant 2 : i32
      %ge3A_34 = arith.cmpi sge, %add3A_33, %ge3A : i32
      %convert_element_type3A = arith.extui %ge3A_34 : i1 to i32
      %cond3A = arith.constant 0 : i32
      %cond3A_35 = arith.cmpi ne, %convert_element_type3A, %cond3A : i32
      scf.if %cond3A_35 {
        %dma_wait3A_150 = arith.constant 0 : i32
        %dma_wait3A_151 = arith.constant 0 : i32
        %dma_wait3A_152 = arith.constant 0 : i32
        %dma_wait3A_153 = tpu.memref_slice %arg4[%dma_wait3A_150, %dma_wait3A_151, %dma_wait3A_152] : memref<4x4096x768xf32, #tpu.memory_space<hbm>> -> memref<1x64x768xf32, #tpu.memory_space<hbm>>
        %dma_wait3A_154 = tpu.memref_squeeze %dma_wait3A_153 : memref<1x64x768xf32, #tpu.memory_space<hbm>> -> memref<64x768xf32, #tpu.memory_space<hbm>>
        %dma_wait3A_155 = arith.constant 0 : i32
        %dma_wait3A_156 = arith.constant 0 : i32
        %dma_wait3A_157 = tpu.memref_slice %arg4[%dma_wait3A_150, %dma_wait3A_155, %dma_wait3A_156] : memref<4x4096x768xf32, #tpu.memory_space<hbm>> -> memref<1x64x768xf32, #tpu.memory_space<hbm>>
        %dma_wait3A_158 = tpu.memref_squeeze %dma_wait3A_157 : memref<1x64x768xf32, #tpu.memory_space<hbm>> -> memref<64x768xf32, #tpu.memory_space<hbm>>
        tpu.wait_dma2 semaphore(%arg12 : memref<!tpu.dma_semaphore, #tpu.memory_space<semaphore_mem>>) src(%arg8 : memref<64x768xf32, #tpu.memory_space<vmem>>) dst(%dma_wait3A_158 : memref<64x768xf32, #tpu.memory_space<hbm>>)
      } else {
      }
      %jit3A = arith.constant 4 : i32
      %div3A = arith.divsi %add3A_33, %jit3A : i32
      %sign3A = arith.constant 0 : i32
      %sign3A_36 = arith.cmpi sgt, %add3A_33, %sign3A : i32
      %sign3A_37 = arith.extui %sign3A_36 : i1 to i32
      %sign3A_38 = arith.constant 0 : i32
      %sign3A_39 = arith.cmpi slt, %add3A_33, %sign3A_38 : i32
      %sign3A_40 = arith.extui %sign3A_39 : i1 to i32
      %sign3A_41 = arith.subi %sign3A_37, %sign3A_40 : i32
      %sign3A_42 = arith.constant 0 : i32
      %sign3A_43 = arith.cmpi sgt, %jit3A, %sign3A_42 : i32
      %sign3A_44 = arith.extui %sign3A_43 : i1 to i32
      %sign3A_45 = arith.constant 0 : i32
      %sign3A_46 = arith.cmpi slt, %jit3A, %sign3A_45 : i32
      %sign3A_47 = arith.extui %sign3A_46 : i1 to i32
      %sign3A_48 = arith.subi %sign3A_44, %sign3A_47 : i32
      %ne3A = arith.cmpi ne, %sign3A_41, %sign3A_48 : i32
      %rem3A = arith.remsi %add3A_33, %jit3A : i32
      %ne3A_49 = arith.constant 0 : i32
      %ne3A_50 = arith.cmpi ne, %rem3A, %ne3A_49 : i32
      %and3A = arith.andi %ne3A, %ne3A_50 : i1
      %sub3A = arith.constant 1 : i32
      %sub3A_51 = arith.subi %div3A, %sub3A : i32
      %select_n3A = arith.select %and3A, %sub3A_51, %div3A : i32
      %mul3A_52 = arith.constant 4 : i32
      %mul3A_53 = arith.muli %select_n3A, %mul3A_52 : i32
      %sub3A_54 = arith.subi %add3A_33, %mul3A_53 : i32
      %mul3A_55 = arith.constant 64 : i32
      %mul3A_56 = arith.muli %select_n3A, %mul3A_55 : i32
      %add3A_57 = arith.addi %mul3A_2, %mul3A_56 : i32
      %multiple_of3A_58 = tpu.assume_multiple %add3A_57, 64 : i32
      "tpu.region"() ({
        %run_scoped3A_150 = tpu.sem_alloc : memref<!tpu.dma_semaphore, #tpu.memory_space<semaphore_mem>>
        %dma_start3A_151 = tpu.memref_slice %arg2[%sub3A_54, %multiple_of3A_58] : memref<4x4096xi32, #tpu.memory_space<hbm>> -> memref<1x64xi32, #tpu.memory_space<hbm>>
        %dma_start3A_152 = tpu.memref_squeeze %dma_start3A_151 : memref<1x64xi32, #tpu.memory_space<hbm>> -> memref<64xi32, #tpu.memory_space<hbm>>
        %dma_start3A_153 = tpu.memref_slice %arg2[%sub3A_54, %multiple_of3A_58] : memref<4x4096xi32, #tpu.memory_space<hbm>> -> memref<1x64xi32, #tpu.memory_space<hbm>>
        %dma_start3A_154 = tpu.memref_squeeze %dma_start3A_153 : memref<1x64xi32, #tpu.memory_space<hbm>> -> memref<64xi32, #tpu.memory_space<hbm>>
        tpu.enqueue_dma source(%dma_start3A_154 : memref<64xi32, #tpu.memory_space<hbm>>) target(%arg6 : memref<64xi32, #tpu.memory_space<vmem>>) target_semaphore(%run_scoped3A_150 : memref<!tpu.dma_semaphore, #tpu.memory_space<semaphore_mem>>)
        %dma_wait3A_155 = tpu.memref_slice %arg2[%sub3A_54, %multiple_of3A_58] : memref<4x4096xi32, #tpu.memory_space<hbm>> -> memref<1x64xi32, #tpu.memory_space<hbm>>
        %dma_wait3A_156 = tpu.memref_squeeze %dma_wait3A_155 : memref<1x64xi32, #tpu.memory_space<hbm>> -> memref<64xi32, #tpu.memory_space<hbm>>
        %dma_wait3A_157 = tpu.memref_slice %arg2[%sub3A_54, %multiple_of3A_58] : memref<4x4096xi32, #tpu.memory_space<hbm>> -> memref<1x64xi32, #tpu.memory_space<hbm>>
        %dma_wait3A_158 = tpu.memref_squeeze %dma_wait3A_157 : memref<1x64xi32, #tpu.memory_space<hbm>> -> memref<64xi32, #tpu.memory_space<hbm>>
        tpu.wait_dma2 semaphore(%run_scoped3A_150 : memref<!tpu.dma_semaphore, #tpu.memory_space<semaphore_mem>>) src(%dma_wait3A_158 : memref<64xi32, #tpu.memory_space<hbm>>) dst(%arg6 : memref<64xi32, #tpu.memory_space<vmem>>)
        tpu.yield
      }) : () -> ()
      %dma_start3A_59 = arith.constant 0 : i32
      %dma_start3A_60 = arith.constant 0 : i32
      %dma_start3A_61 = tpu.memref_slice %arg3[%dma_start3A_59, %dma_start3A_60] : memref<100000x768xf32, #tpu.memory_space<hbm>> -> memref<100000x768xf32, #tpu.memory_space<hbm>>
      tpu.enqueue_indirect_dma source(%dma_start3A_61 : memref<100000x768xf32, #tpu.memory_space<hbm>>) target(%arg8 : memref<64x768xf32, #tpu.memory_space<vmem>>) offsets(%arg6 : memref<64xi32, #tpu.memory_space<vmem>>) semaphore(%arg10 : memref<!tpu.dma_semaphore, #tpu.memory_space<semaphore_mem>>)
      %jit3A_62 = arith.constant 4 : i32
      %div3A_63 = arith.divsi %mul3A_31, %jit3A_62 : i32
      %sign3A_64 = arith.constant 0 : i32
      %sign3A_65 = arith.cmpi sgt, %mul3A_31, %sign3A_64 : i32
      %sign3A_66 = arith.extui %sign3A_65 : i1 to i32
      %sign3A_67 = arith.constant 0 : i32
      %sign3A_68 = arith.cmpi slt, %mul3A_31, %sign3A_67 : i32
      %sign3A_69 = arith.extui %sign3A_68 : i1 to i32
      %sign3A_70 = arith.subi %sign3A_66, %sign3A_69 : i32
      %sign3A_71 = arith.constant 0 : i32
      %sign3A_72 = arith.cmpi sgt, %jit3A_62, %sign3A_71 : i32
      %sign3A_73 = arith.extui %sign3A_72 : i1 to i32
      %sign3A_74 = arith.constant 0 : i32
      %sign3A_75 = arith.cmpi slt, %jit3A_62, %sign3A_74 : i32
      %sign3A_76 = arith.extui %sign3A_75 : i1 to i32
      %sign3A_77 = arith.subi %sign3A_73, %sign3A_76 : i32
      %ne3A_78 = arith.cmpi ne, %sign3A_70, %sign3A_77 : i32
      %rem3A_79 = arith.remsi %mul3A_31, %jit3A_62 : i32
      %ne3A_80 = arith.constant 0 : i32
      %ne3A_81 = arith.cmpi ne, %rem3A_79, %ne3A_80 : i32
      %and3A_82 = arith.andi %ne3A_78, %ne3A_81 : i1
      %sub3A_83 = arith.constant 1 : i32
      %sub3A_84 = arith.subi %div3A_63, %sub3A_83 : i32
      %select_n3A_85 = arith.select %and3A_82, %sub3A_84, %div3A_63 : i32
      %mul3A_86 = arith.constant 4 : i32
      %mul3A_87 = arith.muli %select_n3A_85, %mul3A_86 : i32
      %sub3A_88 = arith.subi %mul3A_31, %mul3A_87 : i32
      %mul3A_89 = arith.constant 64 : i32
      %mul3A_90 = arith.muli %select_n3A_85, %mul3A_89 : i32
      %add3A_91 = arith.addi %mul3A_2, %mul3A_90 : i32
      %multiple_of3A_92 = tpu.assume_multiple %add3A_91, 64 : i32
      %dma_wait3A_93 = arith.constant 0 : i32
      %dma_wait3A_94 = arith.constant 0 : i32
      %dma_wait3A_95 = tpu.memref_slice %arg3[%dma_wait3A_93, %dma_wait3A_94] : memref<100000x768xf32, #tpu.memory_space<hbm>> -> memref<100000x768xf32, #tpu.memory_space<hbm>>
      tpu.wait_indirect_dma semaphore(%arg9 : memref<!tpu.dma_semaphore, #tpu.memory_space<semaphore_mem>>) src(%dma_wait3A_95 : memref<100000x768xf32, #tpu.memory_space<hbm>>) dst(%arg7 : memref<64x768xf32, #tpu.memory_space<vmem>>)
      %dma_start3A_96 = arith.constant 0 : i32
      %dma_start3A_97 = tpu.memref_slice %arg4[%sub3A_88, %multiple_of3A_92, %dma_start3A_96] : memref<4x4096x768xf32, #tpu.memory_space<hbm>> -> memref<1x64x768xf32, #tpu.memory_space<hbm>>
      %dma_start3A_98 = tpu.memref_squeeze %dma_start3A_97 : memref<1x64x768xf32, #tpu.memory_space<hbm>> -> memref<64x768xf32, #tpu.memory_space<hbm>>
      %dma_start3A_99 = arith.constant 0 : i32
      %dma_start3A_100 = tpu.memref_slice %arg4[%sub3A_88, %multiple_of3A_92, %dma_start3A_99] : memref<4x4096x768xf32, #tpu.memory_space<hbm>> -> memref<1x64x768xf32, #tpu.memory_space<hbm>>
      %dma_start3A_101 = tpu.memref_squeeze %dma_start3A_100 : memref<1x64x768xf32, #tpu.memory_space<hbm>> -> memref<64x768xf32, #tpu.memory_space<hbm>>
      tpu.enqueue_dma source(%arg7 : memref<64x768xf32, #tpu.memory_space<vmem>>) target(%dma_start3A_101 : memref<64x768xf32, #tpu.memory_space<hbm>>) target_semaphore(%arg11 : memref<!tpu.dma_semaphore, #tpu.memory_space<semaphore_mem>>)
      %add3A_102 = arith.constant 2 : i32
      %add3A_103 = arith.addi %mul3A_31, %add3A_102 : i32
      %lt3A = arith.constant 8 : i32
      %lt3A_104 = arith.cmpi slt, %add3A_103, %lt3A : i32
      %convert_element_type3A_105 = arith.extui %lt3A_104 : i1 to i32
      %cond3A_106 = arith.constant 0 : i32
      %cond3A_107 = arith.cmpi ne, %convert_element_type3A_105, %cond3A_106 : i32
      scf.if %cond3A_107 {
        %add3A_150 = arith.constant 2 : i32
        %add3A_151 = arith.addi %mul3A_31, %add3A_150 : i32
        %ge3A_152 = arith.constant 2 : i32
        %ge3A_153 = arith.cmpi sge, %add3A_151, %ge3A_152 : i32
        %convert_element_type3A_154 = arith.extui %ge3A_153 : i1 to i32
        %cond3A_155 = arith.constant 0 : i32
        %cond3A_156 = arith.cmpi ne, %convert_element_type3A_154, %cond3A_155 : i32
        scf.if %cond3A_156 {
          %dma_wait3A_191 = arith.constant 0 : i32
          %dma_wait3A_192 = arith.constant 0 : i32
          %dma_wait3A_193 = arith.constant 0 : i32
          %dma_wait3A_194 = tpu.memref_slice %arg4[%dma_wait3A_191, %dma_wait3A_192, %dma_wait3A_193] : memref<4x4096x768xf32, #tpu.memory_space<hbm>> -> memref<1x64x768xf32, #tpu.memory_space<hbm>>
          %dma_wait3A_195 = tpu.memref_squeeze %dma_wait3A_194 : memref<1x64x768xf32, #tpu.memory_space<hbm>> -> memref<64x768xf32, #tpu.memory_space<hbm>>
          %dma_wait3A_196 = arith.constant 0 : i32
          %dma_wait3A_197 = arith.constant 0 : i32
          %dma_wait3A_198 = tpu.memref_slice %arg4[%dma_wait3A_191, %dma_wait3A_196, %dma_wait3A_197] : memref<4x4096x768xf32, #tpu.memory_space<hbm>> -> memref<1x64x768xf32, #tpu.memory_space<hbm>>
          %dma_wait3A_199 = tpu.memref_squeeze %dma_wait3A_198 : memref<1x64x768xf32, #tpu.memory_space<hbm>> -> memref<64x768xf32, #tpu.memory_space<hbm>>
          tpu.wait_dma2 semaphore(%arg11 : memref<!tpu.dma_semaphore, #tpu.memory_space<semaphore_mem>>) src(%arg7 : memref<64x768xf32, #tpu.memory_space<vmem>>) dst(%dma_wait3A_199 : memref<64x768xf32, #tpu.memory_space<hbm>>)
        } else {
        }
        %jit3A_157 = arith.constant 4 : i32
        %div3A_158 = arith.divsi %add3A_151, %jit3A_157 : i32
        %sign3A_159 = arith.constant 0 : i32
        %sign3A_160 = arith.cmpi sgt, %add3A_151, %sign3A_159 : i32
        %sign3A_161 = arith.extui %sign3A_160 : i1 to i32
        %sign3A_162 = arith.constant 0 : i32
        %sign3A_163 = arith.cmpi slt, %add3A_151, %sign3A_162 : i32
        %sign3A_164 = arith.extui %sign3A_163 : i1 to i32
        %sign3A_165 = arith.subi %sign3A_161, %sign3A_164 : i32
        %sign3A_166 = arith.constant 0 : i32
        %sign3A_167 = arith.cmpi sgt, %jit3A_157, %sign3A_166 : i32
        %sign3A_168 = arith.extui %sign3A_167 : i1 to i32
        %sign3A_169 = arith.constant 0 : i32
        %sign3A_170 = arith.cmpi slt, %jit3A_157, %sign3A_169 : i32
        %sign3A_171 = arith.extui %sign3A_170 : i1 to i32
        %sign3A_172 = arith.subi %sign3A_168, %sign3A_171 : i32
        %ne3A_173 = arith.cmpi ne, %sign3A_165, %sign3A_172 : i32
        %rem3A_174 = arith.remsi %add3A_151, %jit3A_157 : i32
        %ne3A_175 = arith.constant 0 : i32
        %ne3A_176 = arith.cmpi ne, %rem3A_174, %ne3A_175 : i32
        %and3A_177 = arith.andi %ne3A_173, %ne3A_176 : i1
        %sub3A_178 = arith.constant 1 : i32
        %sub3A_179 = arith.subi %div3A_158, %sub3A_178 : i32
        %select_n3A_180 = arith.select %and3A_177, %sub3A_179, %div3A_158 : i32
        %mul3A_181 = arith.constant 4 : i32
        %mul3A_182 = arith.muli %select_n3A_180, %mul3A_181 : i32
        %sub3A_183 = arith.subi %add3A_151, %mul3A_182 : i32
        %mul3A_184 = arith.constant 64 : i32
        %mul3A_185 = arith.muli %select_n3A_180, %mul3A_184 : i32
        %add3A_186 = arith.addi %mul3A_2, %mul3A_185 : i32
        %multiple_of3A_187 = tpu.assume_multiple %add3A_186, 64 : i32
        "tpu.region"() ({
          %run_scoped3A_191 = tpu.sem_alloc : memref<!tpu.dma_semaphore, #tpu.memory_space<semaphore_mem>>
          %dma_start3A_192 = tpu.memref_slice %arg2[%sub3A_183, %multiple_of3A_187] : memref<4x4096xi32, #tpu.memory_space<hbm>> -> memref<1x64xi32, #tpu.memory_space<hbm>>
          %dma_start3A_193 = tpu.memref_squeeze %dma_start3A_192 : memref<1x64xi32, #tpu.memory_space<hbm>> -> memref<64xi32, #tpu.memory_space<hbm>>
          %dma_start3A_194 = tpu.memref_slice %arg2[%sub3A_183, %multiple_of3A_187] : memref<4x4096xi32, #tpu.memory_space<hbm>> -> memref<1x64xi32, #tpu.memory_space<hbm>>
          %dma_start3A_195 = tpu.memref_squeeze %dma_start3A_194 : memref<1x64xi32, #tpu.memory_space<hbm>> -> memref<64xi32, #tpu.memory_space<hbm>>
          tpu.enqueue_dma source(%dma_start3A_195 : memref<64xi32, #tpu.memory_space<hbm>>) target(%arg5 : memref<64xi32, #tpu.memory_space<vmem>>) target_semaphore(%run_scoped3A_191 : memref<!tpu.dma_semaphore, #tpu.memory_space<semaphore_mem>>)
          %dma_wait3A_196 = tpu.memref_slice %arg2[%sub3A_183, %multiple_of3A_187] : memref<4x4096xi32, #tpu.memory_space<hbm>> -> memref<1x64xi32, #tpu.memory_space<hbm>>
          %dma_wait3A_197 = tpu.memref_squeeze %dma_wait3A_196 : memref<1x64xi32, #tpu.memory_space<hbm>> -> memref<64xi32, #tpu.memory_space<hbm>>
          %dma_wait3A_198 = tpu.memref_slice %arg2[%sub3A_183, %multiple_of3A_187] : memref<4x4096xi32, #tpu.memory_space<hbm>> -> memref<1x64xi32, #tpu.memory_space<hbm>>
          %dma_wait3A_199 = tpu.memref_squeeze %dma_wait3A_198 : memref<1x64xi32, #tpu.memory_space<hbm>> -> memref<64xi32, #tpu.memory_space<hbm>>
          tpu.wait_dma2 semaphore(%run_scoped3A_191 : memref<!tpu.dma_semaphore, #tpu.memory_space<semaphore_mem>>) src(%dma_wait3A_199 : memref<64xi32, #tpu.memory_space<hbm>>) dst(%arg5 : memref<64xi32, #tpu.memory_space<vmem>>)
          tpu.yield
        }) : () -> ()
        %dma_start3A_188 = arith.constant 0 : i32
        %dma_start3A_189 = arith.constant 0 : i32
        %dma_start3A_190 = tpu.memref_slice %arg3[%dma_start3A_188, %dma_start3A_189] : memref<100000x768xf32, #tpu.memory_space<hbm>> -> memref<100000x768xf32, #tpu.memory_space<hbm>>
        tpu.enqueue_indirect_dma source(%dma_start3A_190 : memref<100000x768xf32, #tpu.memory_space<hbm>>) target(%arg7 : memref<64x768xf32, #tpu.memory_space<vmem>>) offsets(%arg5 : memref<64xi32, #tpu.memory_space<vmem>>) semaphore(%arg9 : memref<!tpu.dma_semaphore, #tpu.memory_space<semaphore_mem>>)
      } else {
      }
      %add3A_108 = arith.constant 1 : i32
      %add3A_109 = arith.addi %mul3A_31, %add3A_108 : i32
      %jit3A_110 = arith.constant 4 : i32
      %div3A_111 = arith.divsi %add3A_109, %jit3A_110 : i32
      %sign3A_112 = arith.constant 0 : i32
      %sign3A_113 = arith.cmpi sgt, %add3A_109, %sign3A_112 : i32
      %sign3A_114 = arith.extui %sign3A_113 : i1 to i32
      %sign3A_115 = arith.constant 0 : i32
      %sign3A_116 = arith.cmpi slt, %add3A_109, %sign3A_115 : i32
      %sign3A_117 = arith.extui %sign3A_116 : i1 to i32
      %sign3A_118 = arith.subi %sign3A_114, %sign3A_117 : i32
      %sign3A_119 = arith.constant 0 : i32
      %sign3A_120 = arith.cmpi sgt, %jit3A_110, %sign3A_119 : i32
      %sign3A_121 = arith.extui %sign3A_120 : i1 to i32
      %sign3A_122 = arith.constant 0 : i32
      %sign3A_123 = arith.cmpi slt, %jit3A_110, %sign3A_122 : i32
      %sign3A_124 = arith.extui %sign3A_123 : i1 to i32
      %sign3A_125 = arith.subi %sign3A_121, %sign3A_124 : i32
      %ne3A_126 = arith.cmpi ne, %sign3A_118, %sign3A_125 : i32
      %rem3A_127 = arith.remsi %add3A_109, %jit3A_110 : i32
      %ne3A_128 = arith.constant 0 : i32
      %ne3A_129 = arith.cmpi ne, %rem3A_127, %ne3A_128 : i32
      %and3A_130 = arith.andi %ne3A_126, %ne3A_129 : i1
      %sub3A_131 = arith.constant 1 : i32
      %sub3A_132 = arith.subi %div3A_111, %sub3A_131 : i32
      %select_n3A_133 = arith.select %and3A_130, %sub3A_132, %div3A_111 : i32
      %mul3A_134 = arith.constant 4 : i32
      %mul3A_135 = arith.muli %select_n3A_133, %mul3A_134 : i32
      %sub3A_136 = arith.subi %add3A_109, %mul3A_135 : i32
      %mul3A_137 = arith.constant 64 : i32
      %mul3A_138 = arith.muli %select_n3A_133, %mul3A_137 : i32
      %add3A_139 = arith.addi %mul3A_2, %mul3A_138 : i32
      %multiple_of3A_140 = tpu.assume_multiple %add3A_139, 64 : i32
      %dma_wait3A_141 = arith.constant 0 : i32
      %dma_wait3A_142 = arith.constant 0 : i32
      %dma_wait3A_143 = tpu.memref_slice %arg3[%dma_wait3A_141, %dma_wait3A_142] : memref<100000x768xf32, #tpu.memory_space<hbm>> -> memref<100000x768xf32, #tpu.memory_space<hbm>>
      tpu.wait_indirect_dma semaphore(%arg10 : memref<!tpu.dma_semaphore, #tpu.memory_space<semaphore_mem>>) src(%dma_wait3A_143 : memref<100000x768xf32, #tpu.memory_space<hbm>>) dst(%arg8 : memref<64x768xf32, #tpu.memory_space<vmem>>)
      %dma_start3A_144 = arith.constant 0 : i32
      %dma_start3A_145 = tpu.memref_slice %arg4[%sub3A_136, %multiple_of3A_140, %dma_start3A_144] : memref<4x4096x768xf32, #tpu.memory_space<hbm>> -> memref<1x64x768xf32, #tpu.memory_space<hbm>>
      %dma_start3A_146 = tpu.memref_squeeze %dma_start3A_145 : memref<1x64x768xf32, #tpu.memory_space<hbm>> -> memref<64x768xf32, #tpu.memory_space<hbm>>
      %dma_start3A_147 = arith.constant 0 : i32
      %dma_start3A_148 = tpu.memref_slice %arg4[%sub3A_136, %multiple_of3A_140, %dma_start3A_147] : memref<4x4096x768xf32, #tpu.memory_space<hbm>> -> memref<1x64x768xf32, #tpu.memory_space<hbm>>
      %dma_start3A_149 = tpu.memref_squeeze %dma_start3A_148 : memref<1x64x768xf32, #tpu.memory_space<hbm>> -> memref<64x768xf32, #tpu.memory_space<hbm>>
      tpu.enqueue_dma source(%arg8 : memref<64x768xf32, #tpu.memory_space<vmem>>) target(%dma_start3A_149 : memref<64x768xf32, #tpu.memory_space<hbm>>) target_semaphore(%arg12 : memref<!tpu.dma_semaphore, #tpu.memory_space<semaphore_mem>>)
    }
    %scan3A_11 = arith.constant 4 : i32
    %dma_wait3A = arith.constant 0 : i32
    %dma_wait3A_12 = arith.constant 0 : i32
    %dma_wait3A_13 = arith.constant 0 : i32
    %dma_wait3A_14 = tpu.memref_slice %arg4[%dma_wait3A, %dma_wait3A_12, %dma_wait3A_13] : memref<4x4096x768xf32, #tpu.memory_space<hbm>> -> memref<1x64x768xf32, #tpu.memory_space<hbm>>
    %dma_wait3A_15 = tpu.memref_squeeze %dma_wait3A_14 : memref<1x64x768xf32, #tpu.memory_space<hbm>> -> memref<64x768xf32, #tpu.memory_space<hbm>>
    %dma_wait3A_16 = arith.constant 0 : i32
    %dma_wait3A_17 = arith.constant 0 : i32
    %dma_wait3A_18 = tpu.memref_slice %arg4[%dma_wait3A, %dma_wait3A_16, %dma_wait3A_17] : memref<4x4096x768xf32, #tpu.memory_space<hbm>> -> memref<1x64x768xf32, #tpu.memory_space<hbm>>
    %dma_wait3A_19 = tpu.memref_squeeze %dma_wait3A_18 : memref<1x64x768xf32, #tpu.memory_space<hbm>> -> memref<64x768xf32, #tpu.memory_space<hbm>>
    tpu.wait_dma2 semaphore(%arg11 : memref<!tpu.dma_semaphore, #tpu.memory_space<semaphore_mem>>) src(%arg7 : memref<64x768xf32, #tpu.memory_space<vmem>>) dst(%dma_wait3A_19 : memref<64x768xf32, #tpu.memory_space<hbm>>)
    %dma_wait3A_20 = arith.constant 0 : i32
    %dma_wait3A_21 = arith.constant 0 : i32
    %dma_wait3A_22 = arith.constant 0 : i32
    %dma_wait3A_23 = tpu.memref_slice %arg4[%dma_wait3A_20, %dma_wait3A_21, %dma_wait3A_22] : memref<4x4096x768xf32, #tpu.memory_space<hbm>> -> memref<1x64x768xf32, #tpu.memory_space<hbm>>
    %dma_wait3A_24 = tpu.memref_squeeze %dma_wait3A_23 : memref<1x64x768xf32, #tpu.memory_space<hbm>> -> memref<64x768xf32, #tpu.memory_space<hbm>>
    %dma_wait3A_25 = arith.constant 0 : i32
    %dma_wait3A_26 = arith.constant 0 : i32
    %dma_wait3A_27 = tpu.memref_slice %arg4[%dma_wait3A_20, %dma_wait3A_25, %dma_wait3A_26] : memref<4x4096x768xf32, #tpu.memory_space<hbm>> -> memref<1x64x768xf32, #tpu.memory_space<hbm>>
    %dma_wait3A_28 = tpu.memref_squeeze %dma_wait3A_27 : memref<1x64x768xf32, #tpu.memory_space<hbm>> -> memref<64x768xf32, #tpu.memory_space<hbm>>
    tpu.wait_dma2 semaphore(%arg12 : memref<!tpu.dma_semaphore, #tpu.memory_space<semaphore_mem>>) src(%arg8 : memref<64x768xf32, #tpu.memory_space<vmem>>) dst(%dma_wait3A_28 : memref<64x768xf32, #tpu.memory_space<hbm>>)
    return
  }
}

module attributes {stable_mosaic.version = 14 : i64} {
  func.func @_ln_body_alias(%arg0: i32, %arg1: i32, %arg2: memref<4x8192x768xf32, #tpu.memory_space<hbm>>, %arg3: memref<1x2048x768xf32, #tpu.memory_space<vmem>>, %arg4: memref<2048x768xf32, #tpu.memory_space<vmem>>, %arg5: memref<1x1x1x2048xf32, #tpu.memory_space<vmem>>, %arg6: memref<2x768xf32, #tpu.memory_space<vmem>>, %arg7: memref<1x768xf32, #tpu.memory_space<vmem>>, %arg8: memref<1x768xf32, #tpu.memory_space<vmem>>, %arg9: memref<1x2048x768xf32, #tpu.memory_space<vmem>>) attributes {dimension_semantics = [#tpu.dimension_semantics<parallel>, #tpu.dimension_semantics<parallel>], iteration_bounds = array<i64: 2, 4>, scalar_prefetch = 0 : i64, scratch_operands = 0 : i64, tpu.core_type = #tpu.core_type<tc>, window_params = [{}, {transform_indices = @transform_1, window_bounds = array<i64: 1, 2048, 768>}, {transform_indices = @transform_2, window_bounds = array<i64: 2048, 768>}, {transform_indices = @transform_3, window_bounds = array<i64: 1, 1, 1, 2048>}, {pipeline_mode = #tpu.pipeline_mode<synchronous>, transform_indices = @transform_4, window_bounds = array<i64: 2, 768>}, {pipeline_mode = #tpu.pipeline_mode<synchronous>, transform_indices = @transform_5, window_bounds = array<i64: 1, 768>}, {pipeline_mode = #tpu.pipeline_mode<synchronous>, transform_indices = @transform_6, window_bounds = array<i64: 1, 768>}, {transform_indices = @transform_7, window_bounds = array<i64: 1, 2048, 768>}]} {
    %get3A = arith.constant 0 : index
    %get3A_0 = arith.constant 0 : index
    %get3A_1 = arith.constant 0 : index
    %get3A_2 = vector.load %arg3[%get3A, %get3A_0, %get3A_1] : memref<1x2048x768xf32, #tpu.memory_space<vmem>>, vector<1x2048x768xf32>
    %get3A_3 = vector.shape_cast %get3A_2 : vector<1x2048x768xf32> to vector<2048x768xf32>
    %get3A_4 = arith.constant 0 : index
    %get3A_5 = arith.constant 0 : index
    %get3A_6 = vector.load %arg4[%get3A_4, %get3A_5] : memref<2048x768xf32, #tpu.memory_space<vmem>>, vector<2048x768xf32>
    %add3A = arith.addf %get3A_3, %get3A_6 : vector<2048x768xf32>
    %get3A_7 = arith.constant 0 : index
    %get3A_8 = arith.constant 0 : index
    %get3A_9 = vector.load %arg6[%get3A_7, %get3A_8] : memref<2x768xf32, #tpu.memory_space<vmem>>, vector<1x768xf32>
    %get3A_10 = arith.constant 1 : index
    %get3A_11 = arith.constant 0 : index
    %get3A_12 = vector.load %arg6[%get3A_10, %get3A_11] : memref<2x768xf32, #tpu.memory_space<vmem>>, vector<1x768xf32>
    %sub3A = arith.subf %get3A_12, %get3A_9 : vector<1x768xf32>
    %get3A_13 = arith.constant 0 : index
    %get3A_14 = arith.constant 0 : index
    %get3A_15 = arith.constant 0 : index
    %get3A_16 = arith.constant 0 : index
    %get3A_17 = vector.load %arg5[%get3A_13, %get3A_14, %get3A_15, %get3A_16] : memref<1x1x1x2048xf32, #tpu.memory_space<vmem>>, vector<1x1x1x2048xf32>
    %get3A_18 = vector.shape_cast %get3A_17 : vector<1x1x1x2048xf32> to vector<2048xf32>
    %reshape3A = vector.shape_cast %get3A_18 : vector<2048xf32> to vector<2048x1xf32>
    %add3A_19 = vector.broadcast %get3A_9 : vector<1x768xf32> to vector<2048x768xf32>
    %add3A_20 = arith.addf %add3A, %add3A_19 : vector<2048x768xf32>
    %mul3A = vector.broadcast %reshape3A : vector<2048x1xf32> to vector<2048x768xf32>
    %mul3A_21 = vector.broadcast %sub3A : vector<1x768xf32> to vector<2048x768xf32>
    %mul3A_22 = arith.mulf %mul3A, %mul3A_21 : vector<2048x768xf32>
    %add3A_23 = arith.addf %add3A_20, %mul3A_22 : vector<2048x768xf32>
    %reduce_sum3A = arith.constant dense<0.000000e+00> : vector<2048xf32>
    %reduce_sum3A_24 = vector.multi_reduction <add>, %add3A_23, %reduce_sum3A [1] : vector<2048x768xf32> to vector<2048xf32>
    %broadcast_in_dim3A = vector.shape_cast %reduce_sum3A_24 : vector<2048xf32> to vector<2048x1xf32>
    %mul3A_25 = arith.mulf %add3A_23, %add3A_23 : vector<2048x768xf32>
    %reduce_sum3A_26 = arith.constant dense<0.000000e+00> : vector<2048xf32>
    %reduce_sum3A_27 = vector.multi_reduction <add>, %mul3A_25, %reduce_sum3A_26 [1] : vector<2048x768xf32> to vector<2048xf32>
    %broadcast_in_dim3A_28 = vector.shape_cast %reduce_sum3A_27 : vector<2048xf32> to vector<2048x1xf32>
    %mul3A_29 = arith.constant 0.00130208337 : f32
    %mul3A_30 = vector.broadcast %mul3A_29 : f32 to vector<2048x1xf32>
    %mul3A_31 = arith.mulf %broadcast_in_dim3A, %mul3A_30 : vector<2048x1xf32>
    %mul3A_32 = arith.constant 0.00130208337 : f32
    %mul3A_33 = vector.broadcast %mul3A_32 : f32 to vector<2048x1xf32>
    %mul3A_34 = arith.mulf %broadcast_in_dim3A_28, %mul3A_33 : vector<2048x1xf32>
    %mul3A_35 = arith.mulf %mul3A_31, %mul3A_31 : vector<2048x1xf32>
    %sub3A_36 = arith.subf %mul3A_34, %mul3A_35 : vector<2048x1xf32>
    %sub3A_37 = vector.broadcast %mul3A_31 : vector<2048x1xf32> to vector<2048x768xf32>
    %sub3A_38 = arith.subf %add3A_23, %sub3A_37 : vector<2048x768xf32>
    %add3A_39 = arith.constant 9.99999996E-13 : f32
    %add3A_40 = vector.broadcast %add3A_39 : f32 to vector<2048x1xf32>
    %add3A_41 = arith.addf %sub3A_36, %add3A_40 : vector<2048x1xf32>
    %rsqrt3A = math.rsqrt %add3A_41 : vector<2048x1xf32>
    %mul3A_42 = vector.broadcast %rsqrt3A : vector<2048x1xf32> to vector<2048x768xf32>
    %mul3A_43 = arith.mulf %sub3A_38, %mul3A_42 : vector<2048x768xf32>
    %get3A_44 = arith.constant 0 : index
    %get3A_45 = arith.constant 0 : index
    %get3A_46 = vector.load %arg7[%get3A_44, %get3A_45] : memref<1x768xf32, #tpu.memory_space<vmem>>, vector<1x768xf32>
    %mul3A_47 = vector.broadcast %get3A_46 : vector<1x768xf32> to vector<2048x768xf32>
    %mul3A_48 = arith.mulf %mul3A_43, %mul3A_47 : vector<2048x768xf32>
    %get3A_49 = arith.constant 0 : index
    %get3A_50 = arith.constant 0 : index
    %get3A_51 = vector.load %arg8[%get3A_49, %get3A_50] : memref<1x768xf32, #tpu.memory_space<vmem>>, vector<1x768xf32>
    %add3A_52 = vector.broadcast %get3A_51 : vector<1x768xf32> to vector<2048x768xf32>
    %add3A_53 = arith.addf %mul3A_48, %add3A_52 : vector<2048x768xf32>
    %swap3A = arith.constant 0 : index
    %swap3A_54 = arith.constant 0 : index
    %swap3A_55 = arith.constant 0 : index
    %swap3A_56 = vector.load %arg9[%swap3A, %swap3A_54, %swap3A_55] : memref<1x2048x768xf32, #tpu.memory_space<vmem>>, vector<1x2048x768xf32>
    %swap3A_57 = vector.shape_cast %swap3A_56 : vector<1x2048x768xf32> to vector<2048x768xf32>
    %swap3A_58 = vector.shape_cast %add3A_53 : vector<2048x768xf32> to vector<1x2048x768xf32>
    tpu.vector_store %arg9[%swap3A, %swap3A_54, %swap3A_55], %swap3A_58 {strides = array<i32>} : memref<1x2048x768xf32, #tpu.memory_space<vmem>>, vector<1x2048x768xf32>,
    return
  }
  func.func @transform_1(%arg0: i32, %arg1: i32) -> (i32, i32, i32) {
    %c0_i32 = arith.constant 0 : i32
    %c0_i32_0 = arith.constant 0 : i32
    return %arg1, %arg0, %c0_i32 : i32, i32, i32
  }
  func.func @transform_2(%arg0: i32, %arg1: i32) -> (i32, i32) {
    %c0_i32 = arith.constant 0 : i32
    %c0_i32_0 = arith.constant 0 : i32
    return %arg0, %c0_i32 : i32, i32
  }
  func.func @transform_3(%arg0: i32, %arg1: i32) -> (i32, i32, i32, i32) {
    %c0_i32 = arith.constant 0 : i32
    %c0_i32_0 = arith.constant 0 : i32
    %c0_i32_1 = arith.constant 0 : i32
    return %arg1, %arg0, %c0_i32, %c0_i32_0 : i32, i32, i32, i32
  }
  func.func @transform_4(%arg0: i32, %arg1: i32) -> (i32, i32) {
    %c0_i32 = arith.constant 0 : i32
    %c0_i32_0 = arith.constant 0 : i32
    %c0_i32_1 = arith.constant 0 : i32
    return %c0_i32, %c0_i32_0 : i32, i32
  }
  func.func @transform_5(%arg0: i32, %arg1: i32) -> (i32, i32) {
    %c0_i32 = arith.constant 0 : i32
    %c0_i32_0 = arith.constant 0 : i32
    %c0_i32_1 = arith.constant 0 : i32
    return %c0_i32, %c0_i32_0 : i32, i32
  }
  func.func @transform_6(%arg0: i32, %arg1: i32) -> (i32, i32) {
    %c0_i32 = arith.constant 0 : i32
    %c0_i32_0 = arith.constant 0 : i32
    %c0_i32_1 = arith.constant 0 : i32
    return %c0_i32, %c0_i32_0 : i32, i32
  }
  func.func @transform_7(%arg0: i32, %arg1: i32) -> (i32, i32, i32) {
    %add3A = arith.constant 2 : i32
    %add3A_0 = arith.addi %arg0, %add3A : i32
    %c0_i32 = arith.constant 0 : i32
    %c0_i32_1 = arith.constant 0 : i32
    return %arg1, %add3A_0, %c0_i32 : i32, i32, i32
  }
}

module attributes {stable_mosaic.version = 14 : i64} {
  func.func @_ln_body(%arg0: i32, %arg1: i32, %arg2: memref<1x2048x768xf32, #tpu.memory_space<vmem>>, %arg3: memref<2048x768xf32, #tpu.memory_space<vmem>>, %arg4: memref<1x1x1x2048xf32, #tpu.memory_space<vmem>>, %arg5: memref<2x768xf32, #tpu.memory_space<vmem>>, %arg6: memref<1x768xf32, #tpu.memory_space<vmem>>, %arg7: memref<1x768xf32, #tpu.memory_space<vmem>>, %arg8: memref<1x2048x768xf32, #tpu.memory_space<vmem>>) attributes {dimension_semantics = [#tpu.dimension_semantics<parallel>, #tpu.dimension_semantics<parallel>], iteration_bounds = array<i64: 2, 4>, scalar_prefetch = 0 : i64, scratch_operands = 0 : i64, tpu.core_type = #tpu.core_type<tc>, window_params = [{transform_indices = @transform_0, window_bounds = array<i64: 1, 2048, 768>}, {transform_indices = @transform_1, window_bounds = array<i64: 2048, 768>}, {transform_indices = @transform_2, window_bounds = array<i64: 1, 1, 1, 2048>}, {pipeline_mode = #tpu.pipeline_mode<synchronous>, transform_indices = @transform_3, window_bounds = array<i64: 2, 768>}, {pipeline_mode = #tpu.pipeline_mode<synchronous>, transform_indices = @transform_4, window_bounds = array<i64: 1, 768>}, {pipeline_mode = #tpu.pipeline_mode<synchronous>, transform_indices = @transform_5, window_bounds = array<i64: 1, 768>}, {transform_indices = @transform_6, window_bounds = array<i64: 1, 2048, 768>}]} {
    %get3A = arith.constant 0 : index
    %get3A_0 = arith.constant 0 : index
    %get3A_1 = arith.constant 0 : index
    %get3A_2 = vector.load %arg2[%get3A, %get3A_0, %get3A_1] : memref<1x2048x768xf32, #tpu.memory_space<vmem>>, vector<1x2048x768xf32>
    %get3A_3 = vector.shape_cast %get3A_2 : vector<1x2048x768xf32> to vector<2048x768xf32>
    %get3A_4 = arith.constant 0 : index
    %get3A_5 = arith.constant 0 : index
    %get3A_6 = vector.load %arg3[%get3A_4, %get3A_5] : memref<2048x768xf32, #tpu.memory_space<vmem>>, vector<2048x768xf32>
    %add3A = arith.addf %get3A_3, %get3A_6 : vector<2048x768xf32>
    %get3A_7 = arith.constant 0 : index
    %get3A_8 = arith.constant 0 : index
    %get3A_9 = vector.load %arg5[%get3A_7, %get3A_8] : memref<2x768xf32, #tpu.memory_space<vmem>>, vector<1x768xf32>
    %get3A_10 = arith.constant 1 : index
    %get3A_11 = arith.constant 0 : index
    %get3A_12 = vector.load %arg5[%get3A_10, %get3A_11] : memref<2x768xf32, #tpu.memory_space<vmem>>, vector<1x768xf32>
    %sub3A = arith.subf %get3A_12, %get3A_9 : vector<1x768xf32>
    %get3A_13 = arith.constant 0 : index
    %get3A_14 = arith.constant 0 : index
    %get3A_15 = arith.constant 0 : index
    %get3A_16 = arith.constant 0 : index
    %get3A_17 = vector.load %arg4[%get3A_13, %get3A_14, %get3A_15, %get3A_16] : memref<1x1x1x2048xf32, #tpu.memory_space<vmem>>, vector<1x1x1x2048xf32>
    %get3A_18 = vector.shape_cast %get3A_17 : vector<1x1x1x2048xf32> to vector<2048xf32>
    %reshape3A = vector.shape_cast %get3A_18 : vector<2048xf32> to vector<2048x1xf32>
    %add3A_19 = vector.broadcast %get3A_9 : vector<1x768xf32> to vector<2048x768xf32>
    %add3A_20 = arith.addf %add3A, %add3A_19 : vector<2048x768xf32>
    %mul3A = vector.broadcast %reshape3A : vector<2048x1xf32> to vector<2048x768xf32>
    %mul3A_21 = vector.broadcast %sub3A : vector<1x768xf32> to vector<2048x768xf32>
    %mul3A_22 = arith.mulf %mul3A, %mul3A_21 : vector<2048x768xf32>
    %add3A_23 = arith.addf %add3A_20, %mul3A_22 : vector<2048x768xf32>
    %reduce_sum3A = arith.constant dense<0.000000e+00> : vector<2048xf32>
    %reduce_sum3A_24 = vector.multi_reduction <add>, %add3A_23, %reduce_sum3A [1] : vector<2048x768xf32> to vector<2048xf32>
    %broadcast_in_dim3A = vector.shape_cast %reduce_sum3A_24 : vector<2048xf32> to vector<2048x1xf32>
    %mul3A_25 = arith.mulf %add3A_23, %add3A_23 : vector<2048x768xf32>
    %reduce_sum3A_26 = arith.constant dense<0.000000e+00> : vector<2048xf32>
    %reduce_sum3A_27 = vector.multi_reduction <add>, %mul3A_25, %reduce_sum3A_26 [1] : vector<2048x768xf32> to vector<2048xf32>
    %broadcast_in_dim3A_28 = vector.shape_cast %reduce_sum3A_27 : vector<2048xf32> to vector<2048x1xf32>
    %mul3A_29 = arith.constant 0.00130208337 : f32
    %mul3A_30 = vector.broadcast %mul3A_29 : f32 to vector<2048x1xf32>
    %mul3A_31 = arith.mulf %broadcast_in_dim3A, %mul3A_30 : vector<2048x1xf32>
    %mul3A_32 = arith.constant 0.00130208337 : f32
    %mul3A_33 = vector.broadcast %mul3A_32 : f32 to vector<2048x1xf32>
    %mul3A_34 = arith.mulf %broadcast_in_dim3A_28, %mul3A_33 : vector<2048x1xf32>
    %mul3A_35 = arith.mulf %mul3A_31, %mul3A_31 : vector<2048x1xf32>
    %sub3A_36 = arith.subf %mul3A_34, %mul3A_35 : vector<2048x1xf32>
    %sub3A_37 = vector.broadcast %mul3A_31 : vector<2048x1xf32> to vector<2048x768xf32>
    %sub3A_38 = arith.subf %add3A_23, %sub3A_37 : vector<2048x768xf32>
    %add3A_39 = arith.constant 9.99999996E-13 : f32
    %add3A_40 = vector.broadcast %add3A_39 : f32 to vector<2048x1xf32>
    %add3A_41 = arith.addf %sub3A_36, %add3A_40 : vector<2048x1xf32>
    %rsqrt3A = math.rsqrt %add3A_41 : vector<2048x1xf32>
    %mul3A_42 = vector.broadcast %rsqrt3A : vector<2048x1xf32> to vector<2048x768xf32>
    %mul3A_43 = arith.mulf %sub3A_38, %mul3A_42 : vector<2048x768xf32>
    %get3A_44 = arith.constant 0 : index
    %get3A_45 = arith.constant 0 : index
    %get3A_46 = vector.load %arg6[%get3A_44, %get3A_45] : memref<1x768xf32, #tpu.memory_space<vmem>>, vector<1x768xf32>
    %mul3A_47 = vector.broadcast %get3A_46 : vector<1x768xf32> to vector<2048x768xf32>
    %mul3A_48 = arith.mulf %mul3A_43, %mul3A_47 : vector<2048x768xf32>
    %get3A_49 = arith.constant 0 : index
    %get3A_50 = arith.constant 0 : index
    %get3A_51 = vector.load %arg7[%get3A_49, %get3A_50] : memref<1x768xf32, #tpu.memory_space<vmem>>, vector<1x768xf32>
    %add3A_52 = vector.broadcast %get3A_51 : vector<1x768xf32> to vector<2048x768xf32>
    %add3A_53 = arith.addf %mul3A_48, %add3A_52 : vector<2048x768xf32>
    %swap3A = arith.constant 0 : index
    %swap3A_54 = arith.constant 0 : index
    %swap3A_55 = arith.constant 0 : index
    %swap3A_56 = vector.load %arg8[%swap3A, %swap3A_54, %swap3A_55] : memref<1x2048x768xf32, #tpu.memory_space<vmem>>, vector<1x2048x768xf32>
    %swap3A_57 = vector.shape_cast %swap3A_56 : vector<1x2048x768xf32> to vector<2048x768xf32>
    %swap3A_58 = vector.shape_cast %add3A_53 : vector<2048x768xf32> to vector<1x2048x768xf32>
    tpu.vector_store %arg8[%swap3A, %swap3A_54, %swap3A_55], %swap3A_58 {strides = array<i32>} : memref<1x2048x768xf32, #tpu.memory_space<vmem>>, vector<1x2048x768xf32>,
    return
  }
  func.func @transform_0(%arg0: i32, %arg1: i32) -> (i32, i32, i32) {
    %c0_i32 = arith.constant 0 : i32
    %c0_i32_0 = arith.constant 0 : i32
    return %arg1, %arg0, %c0_i32 : i32, i32, i32
  }
  func.func @transform_1(%arg0: i32, %arg1: i32) -> (i32, i32) {
    %c0_i32 = arith.constant 0 : i32
    %c0_i32_0 = arith.constant 0 : i32
    return %arg0, %c0_i32 : i32, i32
  }
  func.func @transform_2(%arg0: i32, %arg1: i32) -> (i32, i32, i32, i32) {
    %c0_i32 = arith.constant 0 : i32
    %c0_i32_0 = arith.constant 0 : i32
    %c0_i32_1 = arith.constant 0 : i32
    return %arg1, %arg0, %c0_i32, %c0_i32_0 : i32, i32, i32, i32
  }
  func.func @transform_3(%arg0: i32, %arg1: i32) -> (i32, i32) {
    %c0_i32 = arith.constant 0 : i32
    %c0_i32_0 = arith.constant 0 : i32
    %c0_i32_1 = arith.constant 0 : i32
    return %c0_i32, %c0_i32_0 : i32, i32
  }
  func.func @transform_4(%arg0: i32, %arg1: i32) -> (i32, i32) {
    %c0_i32 = arith.constant 0 : i32
    %c0_i32_0 = arith.constant 0 : i32
    %c0_i32_1 = arith.constant 0 : i32
    return %c0_i32, %c0_i32_0 : i32, i32
  }
  func.func @transform_5(%arg0: i32, %arg1: i32) -> (i32, i32) {
    %c0_i32 = arith.constant 0 : i32
    %c0_i32_0 = arith.constant 0 : i32
    %c0_i32_1 = arith.constant 0 : i32
    return %c0_i32, %c0_i32_0 : i32, i32
  }
  func.func @transform_6(%arg0: i32, %arg1: i32) -> (i32, i32, i32) {
    %add3A = arith.constant 0 : i32
    %add3A_0 = arith.addi %arg0, %add3A : i32
    %c0_i32 = arith.constant 0 : i32
    %c0_i32_1 = arith.constant 0 : i32
    return %arg1, %add3A_0, %c0_i32 : i32, i32, i32
  }
}

</mosaic_0001>

<sc_bundles>
// kernel: kernel.6.cloned.1.call-start
scs
__scs_entry_jumppad:
0x0: {  	(pc) =	sbr.rel $0x88, $3  }
0x1: {  	(tag) =	ssettag $0x0;
	lr =	simm.s32 $0x1  }
0x2: {  	[smem:$0x3F9A] =	sst lr;
	_ =	strace $0xD0000000  }
0x3: {  	_ = 	snop  }
0x4: {  	_ = 	snop  }
0x5: {  	_ = 	snop  }
0x6: {  	_ = 	snop  }
0x7: {  	_ = 	snop  }
__scs_overlays_trampoline_lowered:
0x8: {  	[smem:$0x3FA9] =	sst s0  }
0x9: {  	[smem:$0x3FAA] =	sst s1  }
0xa: {  	[smem:$0x3FAB] =	sst s2  }
0xb: {  	[smem:$0x3FAC] =	sst s3  }
0xc: {  	[smem:$0x3FAD] =	sst s4  }
0xd: {  	[smem:$0x3FAE] =	sst s5  }
0xe: {  	[smem:$0x3FAF] =	sst s6  }
0xf: {  	[smem:$0x3FB0] =	sst s7  }
0x10: {  	[smem:$0x3FB1] =	sst s8  }
0x11: {  	[smem:$0x3FB2] =	sst s9;
	s0 =	simm.s32 @!p0 $0x0  }
0x12: {  	s1 =	sld [smem:$0x3F98];
	s0 =	simm.s32 @p0 $0x1  }
0x13: {  	[smem:$0x3FB3] =	sst s0;
	s0 =	simm.s32 @!p1 $0x0  }
0x14: {  	s2 =	sld [smem:$0x3F97];
	s0 =	simm.s32 @p1 $0x1  }
0x15: {  	[smem:$0x3FB4] =	sst s0;
	s0 =	simm.s32 @!p2 $0x0  }
0x16: {  	s3 =	sld [smem:$0x3FDB];
	s0 =	simm.s32 @p2 $0x1  }
0x17: {  	s4 =	simm.s32 $0x1BF5;
	[smem:$0x3FB6] =	sst s0  }
0x18: {  	s0 =	sld [smem:$0x3F99];
	_ =	swait.ge [sflag:s4], $0x0  }
0x19: {  	s7 =	sld [smem:$0x3F9A]  }
0x1a: {  	s8 =	sadd.s32 $0xFFFFE003, lr  }
0x1b: {  	s9 =	sadd.s32 $0xFFFFFEF7, lr;
	s5 =	simm.s32 $0xFFFFFFFF;
	p2 =	slt.u32 s8, $0xFFFFF086  }
0x1c: {  	p1 =	slt.u32 s9, $0xF7A;
	s5 =	simm.s32 @!p2 $0x0  }
0x1d: {  	s5 =	simm.s32 @p1 $0x1;
	p0 =	seq.s32 s7, s2  }
0x1e: {  	s7 =	smul.u32 @!p0 $0xF7A, s2;
	p2 =	seq.s32 @!p0 s5, $0x0  }
0x1f: {  	s9 =	smul.u32 $0xF7A, s1;
	s8 =	simm.s32 @!p0 $0x1BF5;
	p2 =	por !p2, p0  }
0x20: {  	[sflag:s8] =	ssyncset.s32 @!p0 $0xFFFFF086;
	s6 =	sadd.s32 @!p0 s3, s7;
	s7 =	simm.s32 @!p0 $0x108  }
0x21: {  	s3 =	sadd.s32 s3, s9;
	s6 =	sadd.s32 @!p0 $0x88, s6;
	s7 =	simm.s32 @p2 $0x1082  }
0x22: {  	[simem:s7], [sflag:s8] =	dma.local @!p0 [hbm:s6], $0xF7A  }
0x23: {  	s9 =	sor.u32 $0xD0000000, s2;
	s6 =	simm.s32 $0x108;
	_ =	swait.ge @!p0 [sflag:s8], $0x0  }
0x24: {  	s3 =	sadd.s32 $0x88, s3;
	s6 =	simm.s32 @!p1 $0x1082;
	[sflag:s4] =	ssyncset.s32 $0xFFFFF086  }
0x25: {  	[simem:s6], [sflag:s4] =	dma.local [hbm:s3], $0xF7A  }
0x26: {  	[smem:$0x3F9A] =	sst s1;
	(tag) =	ssettag s2;
	_ =	strace s9  }
0x27: {  	s1 =	sld [smem:$0x3FAA]  }
0x28: {  	s2 =	sld [smem:$0x3FAB]  }
0x29: {  	s4 =	sld [smem:$0x3FAD]  }
0x2a: {  	p0 =	seq.s32 s5, $0x0;
	s5 =	sld [smem:$0x3FAE]  }
0x2b: {  	s6 =	sld [smem:$0x3FAF]  }
0x2c: {  	s7 =	sld [smem:$0x3FB0]  }
0x2d: {  	s3 =	simm.s32 $0x108;
	s8 =	sld [smem:$0x3FB1]  }
0x2e: {  	s3 =	simm.s32 @!p0 $0x1082;
	s9 =	sld [smem:$0x3FB2]  }
0x2f: {  	lr =	sadd.s32 s0, s3;
	s0 =	sld [smem:$0x3FA9]  }
0x30: {  	s3 =	sld [smem:$0x3FAC]  }
0x31: {  	[smem:$0x3FB5] =	sst s10  }
0x32: {  	s10 =	sld [smem:$0x3FB3];
	_ =	sdelay $0x3  }
0x33: {  	p0 =	seq.s32 s10, $0x1;
	s10 =	sld [smem:$0x3FB5];
	_ =	sdelay $0x3  }
0x34: {  	[smem:$0x3FB5] =	sst s10  }
0x35: {  	s10 =	sld [smem:$0x3FB4];
	_ =	sdelay $0x3  }
0x36: {  	p1 =	seq.s32 s10, $0x1;
	s10 =	sld [smem:$0x3FB5];
	_ =	sdelay $0x3  }
0x37: {  	[smem:$0x3FB5] =	sst s10  }
0x38: {  	s10 =	sld [smem:$0x3FB6]  }
0x39: {  	_ = 	snop;
	(pc) =	sbr.ind lr, $3  }
0x3a: {  	_ = 	snop  }
0x3b: {  	_ = 	snop  }
0x3c: {  	p2 =	seq.s32 s10, $0x1;
	s10 =	sld [smem:$0x3FB5]  }
0x3d: {  	_ =	shalt  }
0x3e: {  	_ =	shalt  }
0x3f: {  	_ =	shalt  }
0x40: {  	_ =	shalt  }
0x41: {  	_ =	shalt  }
0x42: {  	_ =	shalt  }
0x43: {  	_ =	shalt  }
0x44: {  	_ =	shalt  }
0x45: {  	_ =	shalt  }
0x46: {  	_ =	shalt  }
0x47: {  	_ =	shalt  }
0x48: {  	_ =	shalt  }
0x49: {  	_ =	shalt  }
0x4a: {  	_ =	shalt  }
0x4b: {  	_ =	shalt  }
0x4c: {  	_ =	shalt  }
0x4d: {  	_ =	shalt  }
0x4e: {  	_ =	shalt  }
0x4f: {  	_ =	shalt  }
0x50: {  	_ =	shalt  }
0x51: {  	_ =	shalt  }
0x52: {  	_ =	shalt  }
0x53: {  	_ =	shalt  }
0x54: {  	_ =	shalt  }
0x55: {  	_ =	shalt  }
0x56: {  	_ =	shalt  }
0x57: {  	_ =	shalt  }
0x58: {  	_ =	shalt  }
0x59: {  	_ =	shalt  }
0x5a: {  	_ =	shalt  }
0x5b: {  	_ =	shalt  }
0x5c: {  	_ =	shalt  }
0x5d: {  	_ =	shalt  }
0x5e: {  	_ =	shalt  }
0x5f: {  	_ =	shalt  }
0x60: {  	_ =	shalt  }
0x61: {  	_ =	shalt  }
0x62: {  	_ =	shalt  }
0x63: {  	_ =	shalt  }
0x64: {  	_ =	shalt  }
0x65: {  	_ =	shalt  }
0x66: {  	_ =	shalt  }
0x67: {  	_ =	shalt  }
0x68: {  	_ =	shalt  }
0x69: {  	_ =	shalt  }
0x6a: {  	_ =	shalt  }
0x6b: {  	_ =	shalt  }
0x6c: {  	_ =	shalt  }
0x6d: {  	_ =	shalt  }
0x6e: {  	_ =	shalt  }
0x6f: {  	_ =	shalt  }
0x70: {  	_ =	shalt  }
0x71: {  	_ =	shalt  }
0x72: {  	_ =	shalt  }
0x73: {  	_ =	shalt  }
0x74: {  	_ =	shalt  }
0x75: {  	_ =	shalt  }
0x76: {  	_ =	shalt  }
0x77: {  	_ =	shalt  }
0x78: {  	_ =	shalt  }
0x79: {  	_ =	shalt  }
0x7a: {  	_ =	shalt  }
0x7b: {  	_ =	shalt  }
0x7c: {  	_ =	shalt  }
0x7d: {  	_ =	shalt  }
0x7e: {  	_ =	shalt  }
0x7f: {  	_ =	shalt  }
0x80: {  	_ =	shalt  }
0x81: {  	_ =	shalt  }
0x82: {  	_ =	shalt  }
0x83: {  	_ =	shalt  }
0x84: {  	_ =	shalt  }
0x85: {  	_ =	shalt  }
0x86: {  	_ =	shalt  }
0x87: {  	_ =	shalt  }
.Lfunc_end0:
.L_simem_size_0:
called_computation_lowered:
.L_overlay_start_0:
0x88: {  	s2 =	sld [smem:$0x3FD9]  }
0x89: {  	s3 =	sld [smem:$0x3FFE];
	_ =	sdelay $0x1  }
0x8a: {  	s1 =	srdreg.scid  }
0x8b: {  	s0 =	sand.u32 $0x1, s1  }
0x8c: {  	s17 =	sshll.u32 s0, $0xA;
	s2 =	sadd.s32 s3, s2  }
0x8d: {  	s2 =	sadd.s32 s2, s17  }
0x8e: {  	[smem:$0x3FC1] =	sst s2  }
0x8f: {  	_ = 	snop  }
0x90: {  	s2 =	sld [smem:$0x3FC7]  }
0x91: {  	s18 =	sld [smem:$0x3FD0];
	(tm) =	ssettm $0x1  }
0x92: {  	s4 =	sld [smem:$0x3FFB];
	_ =	sdelay $0x3  }
0x93: {  	_ =	strace s4  }
0x94: {  	s4 =	sld [smem:$0x3FFC];
	_ =	sdelay $0x3  }
0x95: {  	_ =	strace s4  }
0x96: {  	s4 =	sld [smem:$0x3FFD];
	_ =	sdelay $0x3  }
0x97: {  	_ =	strace s4  }
0x98: {  	_ =	strace $0x8FFFFFFF  }
0x99: {  	s19 =	sld [smem:$0x3FDB];
	_ =	sdelay $0x1  }
0x9a: {  	s5 =	simm.s32 $_scs_section_size  }
0x9b: {  	s6 =	simm.s32 $_size__tile_overlayer_lowered;
	s7 =	simm.s32 $_tile_overlayer_lowered  }
0x9c: {  	s22 =	simm.s32 $0x1BFF;
	s21 =	sshll.u32 s7, $0x1;
	s4 =	sadd.s32 s5, s19  }
0x9d: {  	s8 =	simm.s32 $0x0;
	s20 =	sshll.u32 s6, $0x1;
	s6 =	sadd.s32 s21, s4  }
0x9e: {  	[timem:s8], [sflag:s22] =	dma.local [hbm:s6], s20  }
0x9f: {  	_ =	swait.ge [sflag:s22], s20  }
0xa0: {  	s5 =	ssub.s32 $0x0, s20;
	[sflag:s22] =	ssyncset.done $0x0  }
0xa1: {  	[sflag:s22] =	ssyncadd.s32 s5;
	_ =	sdelay $0x1  }
0xa2: {  	s23 =	simm.s32 $0x1B8B  }
0xa3: {  	_ =	swait.ge [sflag:s23], $0x1  }
0xa4: {  	[sflag:s23] =	ssyncset.done $0x0  }
0xa5: {  	s25 =	simm.s32 $0x1B8E;
	s24 =	sld [smem:$0x3FFE];
	[sflag:s23] =	ssyncadd.s32 $0xFFFFFFFF  }
0xa6: {  	s26 =	simm.s32 $execute0_lowered;
	[smem:$0x3FD2] =	sst s25  }
0xa7: {  	s6 =	sshll.u32 s26, $0x1;
	_ =	strace $0x80000046;
	[dreg:$0x1] =	wrdreg $0xFFFFFFFF  }
0xa8: {  	s28 =	simm.s32 $_size_execute0_lowered;
	s4 =	sadd.s32 s4, s6;
	[dreg:$0x0] =	wrdreg $0x0  }
0xa9: {  	s6 =	sshll.u32 s28, $0x1;
	[dreg:$0x2] =	wrdreg s4  }
0xaa: {  	[dreg:$0x3] =	wrdreg s6  }
0xab: {  	[dreg:$0x4] =	wrdreg $0xC0  }
0xac: {  	_ =	task [dreg:s8], $0x5FFFF  }
0xad: {  	[dreg:$0x1] =	wrdreg $0xFFFFFFFF  }
0xae: {  	[dreg:$0x0] =	wrdreg $0x60  }
0xaf: {  	[dreg:$0x2] =	wrdreg s18  }
0xb0: {  	[dreg:$0x3] =	wrdreg s2  }
0xb1: {  	[dreg:$0x4] =	wrdreg s24  }
0xb2: {  	[dreg:$0x5] =	wrdreg $0x9  }
0xb3: {  	_ =	task.clear_ibuf [dreg:s8], $0x6FFFF;
	_ =	strace $0x90000046  }
0xb4: {  	s29 =	simm.s32 $0x9;
	_ =	strace $0x80000048  }
0xb5: {  	_ =	swait.ge [sflag:s29], $0x1  }
0xb6: {  	[sflag:s29] =	ssyncadd.s32 $0xFFFFFFFF  }
0xb7: {  	_ =	strace $0x90000048  }
0xb8: {  	_ =	sfence  }
0xb9: {  	s30 =	sld [smem:$0x0];
	_ =	sdelay $0x2  }
0xba: {  	s31 =	sshll.u32 s1, $0xD;
	s1 =	sshrl.u32 s1, $0x2  }
0xbb: {  	s3 =	sand.u32 $0x4000, s31;
	s1 =	sadd.s32 s1, s30  }
0xbc: {  	s0 =	sor.u32 s3, s0;
	s1 =	sshll.u32 s1, $0x11  }
0xbd: {  	s0 =	sor.u32 s1, s0  }
0xbe: {  	s0 =	sadd.s32 $0x8F2B, s0  }
0xbf: {  	[sflag:s0] =	ssyncadd.remote.s32 $0x1  }
0xc0: {  	_ =	sfence.sel $0xFFFF  }
0xc1: {  	[dreg:$0x0] =	wrdreg $0xFFFFFFFF;
	(pc) =	sbr.abs _section_cstart, $3  }
0xc2: {  	[dreg:$0x1] =	wrdreg $0xFFFFFFFF  }
0xc3: {  	_ =	task.clear_ibuf [dreg:s8], $0x2FFFF;
	_ =	strace $0x9FFFFFFF  }
0xc4: {  	(tm) =	ssettm $0x7FFFFFFF  }
0xc5: {  	_ =	shalt  }
tec
execute0_lowered:
.L_overlay_start_1:
0x0: {  	(tag) =	ssettag $0x1  }
0x1: {  	s1 =	rddreg [dreg:$0x0]  }
0x2: {  	s2 =	rddreg [dreg:$0x1]  }
0x3: {  	s0 =	rddreg [dreg:$0x2]  }
0x4: {  	s4 =	simm.s32 $0x0;
	s3 =	srdreg.scid;
	s5 =	stileid.u32  }
0x5: {  	s12 =	simm.s32 $0x5;
	s15 =	simm.s32 $0xC100;
	s11 =	simm.s32 $0x15900  }
0x6: {  	s13 =	simm.s32 $0x16100;
	s14 =	simm.s32 $0x16900;
	s16 =	simm.s32 $0x17100  }
0x7: {  	s17 =	simm.s32 $0x17900;
	s18 =	simm.s32 $0x1;
	s19 =	simm.s32 $0x100  }
0x8: {  	s20 =	simm.s32 $0x2;
	s21 =	simm.s32 $0x3;
	s23 =	simm.s32 $0x0  }
0x9: {  	[smem:$0x7FF] =	sst s4;
	s3 =	sand.u32 $0x1, s3;
	s5 =	sshll.u32 s5, $0x8  }
0xa: {  	s6 =	sadd.s32 $0x1E00, s0;
	s7 =	ssub.s32 $0x2, s3;
	s3 =	sshll.u32 s3, $0x7  }
.Ltmp0:
0xb: {  	s9 =	sadd.s32 $0x200, s2;
	s5 =	sor.u32 s3, s5;
	(pc) =	sbr.rel .LBB2_1-.Ltmp0, $4  }
0xc: {  	_ =	strace $0x80000047;
	s8 =	sshrl.u32 s7, $0x1;
	s3 =	sshrl.u32 s5, $0x1  }
0xd: {  	v2 =	vlaneseq.u32;
	s31 =	ssub.s32 s7, s8;
	s8 =	sadd.s32 $0x100, s2;
	s3 =	sadd.s32 s1, s3  }
0xe: {  	vm0 =	vmmov $0xffff;
	v1 =	vshrl.u32 v2, $0x3;
	s10 =	sshll.u32 s5, $0x2;
	s0 =	smax.u32 s31, $0x1;
	[dreg:$0x4] =	wrdreg s3  }
0xf: {  	v0 =	vand.u32 $0x7, v2;
	v2 =	vor.u32 $0x8, v2;
	v1 =	vmul.u32 $0x8, v1;
	s7 =	simm.s32 $0x15100;
	[dreg:$0x5] =	wrdreg s0;
	s3 =	simm.s32 $0x14900  }
.LBB2_5:
0x10: {  	_ =	swait.ge [sflag:s21], $0xC000  }
0x11: {  	[sflag:s21] =	ssyncset.done $0x0  }
0x12: {  	s22 =	simm.s32 $0x4;
	[sflag:s21] =	ssyncadd.s32 $0xFFFF4000  }
0x13: {  	_ =	swait.ge [sflag:s22], $0xC000  }
0x14: {  	s23 =	rddreg [dreg:$0x6]  }
0x15: {  	s0 =	rddreg [dreg:$0x5];
	s23 =	sadd.s32 $0x1, s23  }
0x16: {  	p0 =	sne.s32 s23, s0  }
.Ltmp1:
0x17: {  	_ = 	snop;
	(pc) =	sbr.rel @!p0 .LBB2_6-.Ltmp1, $3  }
0x18: {  	_ =	sdelay $0x1  }
0x19: {  	[sflag:s22] =	ssyncset.done $0x0  }
0x1a: {  	[sflag:s22] =	ssyncadd.s32 $0xFFFF4000  }
.LBB2_1:
0x1b: {  	[dreg:$0x6] =	wrdreg s23  }
0x1c: {  	s0 =	rddreg [dreg:$0x4]  }
0x1d: {  	[tilespmem:s4], [sflag:$0x5] =	stream.linear.gather [hbm4b:s0+s4], $0x40, $0x38;
	[tilespmem:$0x18100] =	vst v63  }
0x1e: {  	_ =	swait.ge [sflag:s12], $0x40  }
0x1f: {  	[sflag:s12] =	ssyncset.done $0x0  }
0x20: {  	[sflag:s12] =	ssyncadd.s32 $0xFFFFFFC0  }
0x21: {  	v3 =	vld [tilespmem:$0x0];
	_ =	sdelay $0x4  }
0x22: {  	v4 =	vshrl.u32 v3, $0x3  }
0x23: {  	v4 =	vmul.u32 $0x30, v4  }
0x24: {  	v3 =	vand.u32 $0x7, v3  }
0x25: {  	v3 =	vor.u32 v3, v4  }
0x26: {  	v4 =	vperm.xlane v3, v0;
	_ =	sdelay $0x1  }
0x27: {  	v4 =	vadd.s32 v1, v4;
	_ =	sdelay $0x3  }
0x28: {  	v3 =	vperm.xlane v3, v2  }
0x29: {  	[tilespmem:s19], [sflag:$0x1] =	stream.indirect_vreg.gather [hbm4b:s2+s4], $0x80, v4, vm0, $0xb8;
	[tilespmem:$0x18100] =	vst v63  }
0x2a: {  	s23 =	simm.s32 $0x900;
	v3 =	vadd.s32 v1, v3  }
0x2b: {  	[tilespmem:s23], [sflag:$0x1] =	stream.indirect_vreg.gather [hbm4b:s8+s4], $0x80, v4, vm0, $0xb8;
	[tilespmem:$0x18100] =	vst v63  }
0x2c: {  	s24 =	simm.s32 $0x1100  }
0x2d: {  	[tilespmem:s24], [sflag:$0x1] =	stream.indirect_vreg.gather [hbm4b:s9+s4], $0x80, v4, vm0, $0xb8;
	[tilespmem:$0x18100] =	vst v63  }
0x2e: {  	s25 =	simm.s32 $0x1900  }
0x2f: {  	[tilespmem:s25], [sflag:$0x1] =	stream.indirect_vreg.gather [hbm4b:s2+s4], $0x80, v3, vm0, $0xb8;
	[tilespmem:$0x18100] =	vst v63  }
0x30: {  	s26 =	simm.s32 $0x2100  }
0x31: {  	[tilespmem:s26], [sflag:$0x1] =	stream.indirect_vreg.gather [hbm4b:s8+s4], $0x80, v3, vm0, $0xb8;
	[tilespmem:$0x18100] =	vst v63  }
0x32: {  	s29 =	simm.s32 $0x2900  }
0x33: {  	[tilespmem:s29], [sflag:$0x1] =	stream.indirect_vreg.gather [hbm4b:s9+s4], $0x80, v3, vm0, $0xb8;
	[tilespmem:$0x18100] =	vst v63  }
0x34: {  	v3 =	vld [tilespmem:$0x10];
	_ =	sdelay $0x4  }
0x35: {  	v61 =	vshrl.u32 v3, $0x3  }
0x36: {  	v4 =	vmul.u32 $0x30, v61  }
0x37: {  	v3 =	vand.u32 $0x7, v3  }
0x38: {  	v3 =	vor.u32 v3, v4  }
0x39: {  	v4 =	vperm.xlane v3, v0;
	_ =	sdelay $0x1  }
0x3a: {  	v4 =	vadd.s32 v1, v4;
	_ =	sdelay $0x3  }
0x3b: {  	s30 =	simm.s32 $0x3100;
	v3 =	vperm.xlane v3, v2  }
0x3c: {  	[tilespmem:s30], [sflag:$0x1] =	stream.indirect_vreg.gather [hbm4b:s2+s4], $0x80, v4, vm0, $0xb8;
	[tilespmem:$0x18100] =	vst v63  }
0x3d: {  	s31 =	simm.s32 $0x3900;
	v3 =	vadd.s32 v1, v3  }
0x3e: {  	[tilespmem:s31], [sflag:$0x1] =	stream.indirect_vreg.gather [hbm4b:s8+s4], $0x80, v4, vm0, $0xb8;
	[tilespmem:$0x18100] =	vst v63  }
0x3f: {  	s22 =	simm.s32 $0x4100  }
0x40: {  	[tilespmem:s22], [sflag:$0x1] =	stream.indirect_vreg.gather [hbm4b:s9+s4], $0x80, v4, vm0, $0xb8;
	[tilespmem:$0x18100] =	vst v63  }
0x41: {  	s23 =	simm.s32 $0x4900  }
0x42: {  	[tilespmem:s23], [sflag:$0x1] =	stream.indirect_vreg.gather [hbm4b:s2+s4], $0x80, v3, vm0, $0xb8;
	[tilespmem:$0x18100] =	vst v63  }
0x43: {  	s24 =	simm.s32 $0x5100  }
0x44: {  	[tilespmem:s24], [sflag:$0x1] =	stream.indirect_vreg.gather [hbm4b:s8+s4], $0x80, v3, vm0, $0xb8;
	[tilespmem:$0x18100] =	vst v63  }
0x45: {  	s25 =	simm.s32 $0x5900  }
0x46: {  	[tilespmem:s25], [sflag:$0x1] =	stream.indirect_vreg.gather [hbm4b:s9+s4], $0x80, v3, vm0, $0xb8;
	[tilespmem:$0x18100] =	vst v63  }
0x47: {  	v3 =	vld [tilespmem:$0x20];
	_ =	sdelay $0x4  }
0x48: {  	v62 =	vshrl.u32 v3, $0x3  }
0x49: {  	v4 =	vmul.u32 $0x30, v62  }
0x4a: {  	v3 =	vand.u32 $0x7, v3  }
0x4b: {  	v3 =	vor.u32 v3, v4  }
0x4c: {  	v4 =	vperm.xlane v3, v0;
	_ =	sdelay $0x1  }
0x4d: {  	v4 =	vadd.s32 v1, v4;
	_ =	sdelay $0x3  }
0x4e: {  	s26 =	simm.s32 $0x6100;
	v3 =	vperm.xlane v3, v2  }
0x4f: {  	[tilespmem:s26], [sflag:$0x1] =	stream.indirect_vreg.gather [hbm4b:s2+s4], $0x80, v4, vm0, $0xb8;
	[tilespmem:$0x18100] =	vst v63  }
0x50: {  	s29 =	simm.s32 $0x6900;
	v3 =	vadd.s32 v1, v3  }
0x51: {  	[tilespmem:s29], [sflag:$0x1] =	stream.indirect_vreg.gather [hbm4b:s8+s4], $0x80, v4, vm0, $0xb8;
	[tilespmem:$0x18100] =	vst v63  }
0x52: {  	s30 =	simm.s32 $0x7100  }
0x53: {  	[tilespmem:s30], [sflag:$0x1] =	stream.indirect_vreg.gather [hbm4b:s9+s4], $0x80, v4, vm0, $0xb8;
	[tilespmem:$0x18100] =	vst v63  }
0x54: {  	s31 =	simm.s32 $0x7900  }
0x55: {  	[tilespmem:s31], [sflag:$0x1] =	stream.indirect_vreg.gather [hbm4b:s2+s4], $0x80, v3, vm0, $0xb8;
	[tilespmem:$0x18100] =	vst v63  }
0x56: {  	s22 =	simm.s32 $0x8100  }
0x57: {  	[tilespmem:s22], [sflag:$0x1] =	stream.indirect_vreg.gather [hbm4b:s8+s4], $0x80, v3, vm0, $0xb8;
	[tilespmem:$0x18100] =	vst v63  }
0x58: {  	s23 =	simm.s32 $0x8900  }
0x59: {  	[tilespmem:s23], [sflag:$0x1] =	stream.indirect_vreg.gather [hbm4b:s9+s4], $0x80, v3, vm0, $0xb8;
	[tilespmem:$0x18100] =	vst v63  }
0x5a: {  	v3 =	vld [tilespmem:$0x30];
	_ =	sdelay $0x4  }
0x5b: {  	v63 =	vshrl.u32 v3, $0x3  }
0x5c: {  	v4 =	vmul.u32 $0x30, v63  }
0x5d: {  	v3 =	vand.u32 $0x7, v3  }
0x5e: {  	v3 =	vor.u32 v3, v4  }
0x5f: {  	v4 =	vperm.xlane v3, v0;
	_ =	sdelay $0x1  }
0x60: {  	v4 =	vadd.s32 v1, v4;
	_ =	sdelay $0x3  }
0x61: {  	s24 =	simm.s32 $0x9100;
	v3 =	vperm.xlane v3, v2  }
0x62: {  	[tilespmem:s24], [sflag:$0x1] =	stream.indirect_vreg.gather [hbm4b:s2+s4], $0x80, v4, vm0, $0xb8;
	[tilespmem:$0x18100] =	vst v63  }
0x63: {  	s25 =	simm.s32 $0x9900;
	v3 =	vadd.s32 v1, v3  }
0x64: {  	[tilespmem:s25], [sflag:$0x1] =	stream.indirect_vreg.gather [hbm4b:s8+s4], $0x80, v4, vm0, $0xb8;
	[tilespmem:$0x18100] =	vst v63  }
0x65: {  	s26 =	simm.s32 $0xA100  }
0x66: {  	[tilespmem:s26], [sflag:$0x1] =	stream.indirect_vreg.gather [hbm4b:s9+s4], $0x80, v4, vm0, $0xb8;
	[tilespmem:$0x18100] =	vst v63  }
0x67: {  	s29 =	simm.s32 $0xA900  }
0x68: {  	[tilespmem:s29], [sflag:$0x1] =	stream.indirect_vreg.gather [hbm4b:s2+s4], $0x80, v3, vm0, $0xb8;
	[tilespmem:$0x18100] =	vst v63  }
.Ltmp2:
0x69: {  	s28 =	simm.s32 $0x0;
	s30 =	simm.s32 $0xB100;
	(pc) =	sbr.rel .LBB2_2-.Ltmp2, $4  }
0x6a: {  	s31 =	simm.s32 $0xB900;
	s22 =	simm.s32 $0x1000;
	s23 =	simm.s32 $0x2000  }
0x6b: {  	[tilespmem:s30], [sflag:$0x1] =	stream.indirect_vreg.gather [hbm4b:s8+s4], $0x80, v3, vm0, $0xb8;
	[tilespmem:$0x18100] =	vst v63  }
0x6c: {  	s24 =	simm.s32 $0x2;
	s25 =	simm.s32 $0x0;
	s26 =	simm.s32 $0x100  }
0x6d: {  	[tilespmem:s31], [sflag:$0x1] =	stream.indirect_vreg.gather [hbm4b:s9+s4], $0x80, v3, vm0, $0xb8;
	[tilespmem:$0x18100] =	vst v63  }
.LBB2_4:
0x6e: {  	s26 =	sadd.s32 $0x100, s26  }
0x6f: {  	p0 =	sne.s32 s26, $0x500  }
.Ltmp3:
0x70: {  	_ =	swait.ge [sflag:s20], $0xC000;
	s0 =	sadd.s32 $0x300000, s29;
	(pc) =	sbr.rel @!p0 .LBB2_5-.Ltmp3, $4  }
0x71: {  	s28 =	sadd.s32 $0x1, s28;
	s22 =	sadd.s32 $0x2000, s22;
	s25 =	sadd.s32 $0x600000, s25  }
0x72: {  	s24 =	sadd.s32 $0x2, s24;
	[sflag:s20] =	ssyncset.done $0x0;
	s0 =	sshrl.u32 s0, $0x3  }
0x73: {  	s23 =	sadd.s32 $0x2000, s23;
	[sflag:s20] =	ssyncadd.s32 $0xFFFF4000;
	s0 =	sadd.s32 s6, s0  }
0x74: {  	[hbm4b:s0+s4] =	stream.linear.scatter [tilespmem:s15], [sflag:$0x4], $0xC000, $0x38;
	[tilespmem:$0x18100] =	vst v63  }
.LBB2_2:
0x75: {  	s29 =	sshrl.u32 s28, $0x1  }
0x76: {  	s30 =	sshll.u32 s29, $0xE  }
0x77: {  	s30 =	ssub.s32 s22, s30  }
0x78: {  	p0 =	seq.s32 s26, $0x100;
	s31 =	sadd.s32 $0xFFFFFF80, s26;
	s30 =	sand.u32 $0xFFFFC000, s30  }
0x79: {  	s0 =	sshll.u32 s28, $0x5;
	s31 =	sand.u32 $0x180, s31;
	s30 =	sor.u32 s10, s30  }
0x7a: {  	s0 =	sand.u32 $0xFFFFFFC0, s0;
	s30 =	sor.u32 s31, s30;
	s31 =	simm.s32 @!p0 $0x4  }
0x7b: {  	s0 =	sadd.s32 s0, s30;
	_ =	swait.ge @!p0 [sflag:s31], $0xC000  }
0x7c: {  	[sflag:s31] =	ssyncset.done @!p0 $0x0;
	s0 =	sshrl.u32 s0, $0x3  }
0x7d: {  	[sflag:s31] =	ssyncadd.s32 @!p0 $0xFFFF4000;
	s0 =	sadd.s32 s1, s0;
	s31 =	simm.s32 $0x80  }
0x7e: {  	[tilespmem:s31], [sflag:$0x5] =	stream.linear.gather [hbm4b:s0+s4], $0x40, $0x38;
	[tilespmem:$0x18100] =	vst v63  }
0x7f: {  	_ =	swait.ge [sflag:s12], $0x40  }
0x80: {  	[sflag:s12] =	ssyncset.done $0x0  }
0x81: {  	[sflag:s12] =	ssyncadd.s32 $0xFFFFFFC0  }
0x82: {  	v3 =	vld [tilespmem:$0x80];
	_ =	sdelay $0x4  }
0x83: {  	v4 =	vshrl.u32 v3, $0x3  }
0x84: {  	v4 =	vmul.u32 $0x30, v4  }
0x85: {  	v3 =	vand.u32 $0x7, v3  }
0x86: {  	v3 =	vor.u32 v3, v4  }
0x87: {  	v4 =	vperm.xlane v3, v0;
	_ =	sdelay $0x1  }
0x88: {  	v4 =	vadd.s32 v1, v4;
	_ =	sdelay $0x3  }
0x89: {  	v3 =	vperm.xlane v3, v2  }
0x8a: {  	[tilespmem:s15], [sflag:$0x2] =	stream.indirect_vreg.gather [hbm4b:s2+s4], $0x80, v4, vm0, $0xb8;
	[tilespmem:$0x18100] =	vst v63  }
0x8b: {  	s31 =	simm.s32 $0xC900;
	v3 =	vadd.s32 v1, v3  }
0x8c: {  	[tilespmem:s31], [sflag:$0x2] =	stream.indirect_vreg.gather [hbm4b:s8+s4], $0x80, v4, vm0, $0xb8;
	[tilespmem:$0x18100] =	vst v63  }
0x8d: {  	s30 =	simm.s32 $0xD100  }
0x8e: {  	[tilespmem:s30], [sflag:$0x2] =	stream.indirect_vreg.gather [hbm4b:s9+s4], $0x80, v4, vm0, $0xb8;
	[tilespmem:$0x18100] =	vst v63  }
0x8f: {  	s31 =	simm.s32 $0xD900  }
0x90: {  	[tilespmem:s31], [sflag:$0x2] =	stream.indirect_vreg.gather [hbm4b:s2+s4], $0x80, v3, vm0, $0xb8;
	[tilespmem:$0x18100] =	vst v63  }
0x91: {  	s30 =	simm.s32 $0xE100  }
0x92: {  	[tilespmem:s30], [sflag:$0x2] =	stream.indirect_vreg.gather [hbm4b:s8+s4], $0x80, v3, vm0, $0xb8;
	[tilespmem:$0x18100] =	vst v63  }
0x93: {  	s31 =	simm.s32 $0xE900  }
0x94: {  	[tilespmem:s31], [sflag:$0x2] =	stream.indirect_vreg.gather [hbm4b:s9+s4], $0x80, v3, vm0, $0xb8;
	[tilespmem:$0x18100] =	vst v63  }
0x95: {  	v3 =	vld [tilespmem:$0x90];
	_ =	sdelay $0x4  }
0x96: {  	v61 =	vshrl.u32 v3, $0x3  }
0x97: {  	v4 =	vmul.u32 $0x30, v61  }
0x98: {  	v3 =	vand.u32 $0x7, v3  }
0x99: {  	v3 =	vor.u32 v3, v4  }
0x9a: {  	v4 =	vperm.xlane v3, v0;
	_ =	sdelay $0x1  }
0x9b: {  	v4 =	vadd.s32 v1, v4;
	_ =	sdelay $0x3  }
0x9c: {  	s30 =	simm.s32 $0xF100;
	v3 =	vperm.xlane v3, v2  }
0x9d: {  	[tilespmem:s30], [sflag:$0x2] =	stream.indirect_vreg.gather [hbm4b:s2+s4], $0x80, v4, vm0, $0xb8;
	[tilespmem:$0x18100] =	vst v63  }
0x9e: {  	s31 =	simm.s32 $0xF900;
	v3 =	vadd.s32 v1, v3  }
0x9f: {  	[tilespmem:s31], [sflag:$0x2] =	stream.indirect_vreg.gather [hbm4b:s8+s4], $0x80, v4, vm0, $0xb8;
	[tilespmem:$0x18100] =	vst v63  }
0xa0: {  	s30 =	simm.s32 $0x10100  }
0xa1: {  	[tilespmem:s30], [sflag:$0x2] =	stream.indirect_vreg.gather [hbm4b:s9+s4], $0x80, v4, vm0, $0xb8;
	[tilespmem:$0x18100] =	vst v63  }
0xa2: {  	s31 =	simm.s32 $0x10900  }
0xa3: {  	[tilespmem:s31], [sflag:$0x2] =	stream.indirect_vreg.gather [hbm4b:s2+s4], $0x80, v3, vm0, $0xb8;
	[tilespmem:$0x18100] =	vst v63  }
0xa4: {  	s30 =	simm.s32 $0x11100  }
0xa5: {  	[tilespmem:s30], [sflag:$0x2] =	stream.indirect_vreg.gather [hbm4b:s8+s4], $0x80, v3, vm0, $0xb8;
	[tilespmem:$0x18100] =	vst v63  }
0xa6: {  	s31 =	simm.s32 $0x11900  }
0xa7: {  	[tilespmem:s31], [sflag:$0x2] =	stream.indirect_vreg.gather [hbm4b:s9+s4], $0x80, v3, vm0, $0xb8;
	[tilespmem:$0x18100] =	vst v63  }
0xa8: {  	v3 =	vld [tilespmem:$0xA0];
	_ =	sdelay $0x4  }
0xa9: {  	v62 =	vshrl.u32 v3, $0x3  }
0xaa: {  	v4 =	vmul.u32 $0x30, v62  }
0xab: {  	v3 =	vand.u32 $0x7, v3  }
0xac: {  	v3 =	vor.u32 v3, v4  }
0xad: {  	v4 =	vperm.xlane v3, v0;
	_ =	sdelay $0x1  }
0xae: {  	v4 =	vadd.s32 v1, v4;
	_ =	sdelay $0x3  }
0xaf: {  	s30 =	simm.s32 $0x12100;
	v3 =	vperm.xlane v3, v2  }
0xb0: {  	[tilespmem:s30], [sflag:$0x2] =	stream.indirect_vreg.gather [hbm4b:s2+s4], $0x80, v4, vm0, $0xb8;
	[tilespmem:$0x18100] =	vst v63  }
0xb1: {  	s31 =	simm.s32 $0x12900;
	v3 =	vadd.s32 v1, v3  }
0xb2: {  	[tilespmem:s31], [sflag:$0x2] =	stream.indirect_vreg.gather [hbm4b:s8+s4], $0x80, v4, vm0, $0xb8;
	[tilespmem:$0x18100] =	vst v63  }
0xb3: {  	s30 =	simm.s32 $0x13100  }
0xb4: {  	[tilespmem:s30], [sflag:$0x2] =	stream.indirect_vreg.gather [hbm4b:s9+s4], $0x80, v4, vm0, $0xb8;
	[tilespmem:$0x18100] =	vst v63  }
0xb5: {  	s31 =	simm.s32 $0x13900  }
0xb6: {  	[tilespmem:s31], [sflag:$0x2] =	stream.indirect_vreg.gather [hbm4b:s2+s4], $0x80, v3, vm0, $0xb8;
	[tilespmem:$0x18100] =	vst v63  }
0xb7: {  	s30 =	simm.s32 $0x14100  }
0xb8: {  	[tilespmem:s30], [sflag:$0x2] =	stream.indirect_vreg.gather [hbm4b:s8+s4], $0x80, v3, vm0, $0xb8;
	[tilespmem:$0x18100] =	vst v63  }
0xb9: {  	_ = 	snop  }
0xba: {  	[tilespmem:s3], [sflag:$0x2] =	stream.indirect_vreg.gather [hbm4b:s9+s4], $0x80, v3, vm0, $0xb8;
	[tilespmem:$0x18100] =	vst v63  }
0xbb: {  	v3 =	vld [tilespmem:$0xB0];
	_ =	sdelay $0x4  }
0xbc: {  	v63 =	vshrl.u32 v3, $0x3  }
0xbd: {  	v4 =	vmul.u32 $0x30, v63  }
0xbe: {  	v3 =	vand.u32 $0x7, v3  }
0xbf: {  	v3 =	vor.u32 v3, v4  }
0xc0: {  	v4 =	vperm.xlane v3, v0;
	_ =	sdelay $0x1  }
0xc1: {  	v4 =	vadd.s32 v1, v4;
	_ =	sdelay $0x3  }
0xc2: {  	v3 =	vperm.xlane v3, v2  }
0xc3: {  	[tilespmem:s7], [sflag:$0x2] =	stream.indirect_vreg.gather [hbm4b:s2+s4], $0x80, v4, vm0, $0xb8;
	[tilespmem:$0x18100] =	vst v63  }
0xc4: {  	v3 =	vadd.s32 v1, v3  }
0xc5: {  	[tilespmem:s11], [sflag:$0x2] =	stream.indirect_vreg.gather [hbm4b:s8+s4], $0x80, v4, vm0, $0xb8;
	[tilespmem:$0x18100] =	vst v63  }
0xc6: {  	s31 =	sshll.u32 s29, $0x6  }
0xc7: {  	[tilespmem:s13], [sflag:$0x2] =	stream.indirect_vreg.gather [hbm4b:s9+s4], $0x80, v4, vm0, $0xb8;
	[tilespmem:$0x18100] =	vst v63  }
0xc8: {  	s0 =	sadd.s32 s31, s5  }
0xc9: {  	[tilespmem:s14], [sflag:$0x2] =	stream.indirect_vreg.gather [hbm4b:s2+s4], $0x80, v3, vm0, $0xb8;
	[tilespmem:$0x18100] =	vst v63  }
0xca: {  	s29 =	smul.u32 $0xC00000, s29;
	s0 =	sshrl.u32 s0, $0x3  }
0xcb: {  	[tilespmem:s16], [sflag:$0x2] =	stream.indirect_vreg.gather [hbm4b:s8+s4], $0x80, v3, vm0, $0xb8;
	[tilespmem:$0x18100] =	vst v63  }
0xcc: {  	p0 =	seq.s32 s26, $0x400;
	s0 =	smul.u32 $0x1800, s0  }
0xcd: {  	[tilespmem:s17], [sflag:$0x2] =	stream.indirect_vreg.gather [hbm4b:s9+s4], $0x80, v3, vm0, $0xb8;
	[tilespmem:$0x18100] =	vst v63  }
.Ltmp4:
0xce: {  	s0 =	sadd.s32 s0, s25;
	(pc) =	sbr.rel @p0 .LBB2_4-.Ltmp4, $4  }
0xcf: {  	s29 =	ssub.s32 s0, s29;
	_ =	swait.ge [sflag:s18], $0xC000  }
0xd0: {  	s0 =	sshrl.u32 s29, $0x3;
	[sflag:s18] =	ssyncset.done $0x0  }
0xd1: {  	s0 =	sadd.s32 s6, s0;
	[sflag:s18] =	ssyncadd.s32 $0xFFFF4000  }
0xd2: {  	[hbm4b:s0+s4] =	stream.linear.scatter [tilespmem:s19], [sflag:$0x3], $0xC000, $0x38;
	[tilespmem:$0x18100] =	vst v63  }
0xd3: {  	s0 =	sshll.u32 s24, $0x4  }
0xd4: {  	s30 =	sshll.u32 s24, $0xC;
	s31 =	sand.u32 $0x1FFFFFC0, s0  }
0xd5: {  	s30 =	sand.u32 $0xFFFFC000, s30;
	s31 =	sadd.s32 s5, s31  }
0xd6: {  	s30 =	ssub.s32 s23, s30;
	s31 =	sshll.u32 s31, $0x2  }
0xd7: {  	s30 =	sand.u32 $0xFFFFC000, s30;
	s31 =	sand.u32 $0x7FFFFE00, s31  }
0xd8: {  	s30 =	sadd.s32 s30, s31;
	s31 =	sand.u32 $0x100, s26  }
0xd9: {  	s0 =	sand.u32 $0x40, s0;
	s30 =	sor.u32 s31, s30  }
0xda: {  	_ =	swait.ge [sflag:s21], $0xC000;
	s0 =	sor.u32 s0, s30  }
0xdb: {  	[sflag:s21] =	ssyncset.done $0x0;
	s0 =	sshrl.u32 s0, $0x3  }
0xdc: {  	[sflag:s21] =	ssyncadd.s32 $0xFFFF4000;
	s0 =	sadd.s32 s1, s0  }
0xdd: {  	[tilespmem:s4], [sflag:$0x5] =	stream.linear.gather [hbm4b:s0+s4], $0x40, $0x38;
	[tilespmem:$0x18100] =	vst v63  }
0xde: {  	_ =	swait.ge [sflag:s12], $0x40  }
0xdf: {  	[sflag:s12] =	ssyncset.done $0x0  }
0xe0: {  	[sflag:s12] =	ssyncadd.s32 $0xFFFFFFC0  }
0xe1: {  	v3 =	vld [tilespmem:$0x0];
	_ =	sdelay $0x4  }
0xe2: {  	v4 =	vshrl.u32 v3, $0x3  }
0xe3: {  	v4 =	vmul.u32 $0x30, v4  }
0xe4: {  	v3 =	vand.u32 $0x7, v3  }
0xe5: {  	v3 =	vor.u32 v3, v4  }
0xe6: {  	v4 =	vperm.xlane v3, v0;
	_ =	sdelay $0x1  }
0xe7: {  	v4 =	vadd.s32 v1, v4;
	_ =	sdelay $0x3  }
0xe8: {  	v3 =	vperm.xlane v3, v2  }
0xe9: {  	[tilespmem:s19], [sflag:$0x1] =	stream.indirect_vreg.gather [hbm4b:s2+s4], $0x80, v4, vm0, $0xb8;
	[tilespmem:$0x18100] =	vst v63  }
0xea: {  	s31 =	simm.s32 $0x900;
	v3 =	vadd.s32 v1, v3  }
0xeb: {  	[tilespmem:s31], [sflag:$0x1] =	stream.indirect_vreg.gather [hbm4b:s8+s4], $0x80, v4, vm0, $0xb8;
	[tilespmem:$0x18100] =	vst v63  }
0xec: {  	s30 =	simm.s32 $0x1100  }
0xed: {  	[tilespmem:s30], [sflag:$0x1] =	stream.indirect_vreg.gather [hbm4b:s9+s4], $0x80, v4, vm0, $0xb8;
	[tilespmem:$0x18100] =	vst v63  }
0xee: {  	s31 =	simm.s32 $0x1900  }
0xef: {  	[tilespmem:s31], [sflag:$0x1] =	stream.indirect_vreg.gather [hbm4b:s2+s4], $0x80, v3, vm0, $0xb8;
	[tilespmem:$0x18100] =	vst v63  }
0xf0: {  	s30 =	simm.s32 $0x2100  }
0xf1: {  	[tilespmem:s30], [sflag:$0x1] =	stream.indirect_vreg.gather [hbm4b:s8+s4], $0x80, v3, vm0, $0xb8;
	[tilespmem:$0x18100] =	vst v63  }
0xf2: {  	s31 =	simm.s32 $0x2900  }
0xf3: {  	[tilespmem:s31], [sflag:$0x1] =	stream.indirect_vreg.gather [hbm4b:s9+s4], $0x80, v3, vm0, $0xb8;
	[tilespmem:$0x18100] =	vst v63  }
0xf4: {  	v3 =	vld [tilespmem:$0x10];
	_ =	sdelay $0x4  }
0xf5: {  	v61 =	vshrl.u32 v3, $0x3  }
0xf6: {  	v4 =	vmul.u32 $0x30, v61  }
0xf7: {  	v3 =	vand.u32 $0x7, v3  }
0xf8: {  	v3 =	vor.u32 v3, v4  }
0xf9: {  	v4 =	vperm.xlane v3, v0;
	_ =	sdelay $0x1  }
0xfa: {  	v4 =	vadd.s32 v1, v4;
	_ =	sdelay $0x3  }
0xfb: {  	s30 =	simm.s32 $0x3100;
	v3 =	vperm.xlane v3, v2  }
0xfc: {  	[tilespmem:s30], [sflag:$0x1] =	stream.indirect_vreg.gather [hbm4b:s2+s4], $0x80, v4, vm0, $0xb8;
	[tilespmem:$0x18100] =	vst v63  }
0xfd: {  	s31 =	simm.s32 $0x3900;
	v3 =	vadd.s32 v1, v3  }
0xfe: {  	[tilespmem:s31], [sflag:$0x1] =	stream.indirect_vreg.gather [hbm4b:s8+s4], $0x80, v4, vm0, $0xb8;
	[tilespmem:$0x18100] =	vst v63  }
0xff: {  	s30 =	simm.s32 $0x4100  }
0x100: {  	[tilespmem:s30], [sflag:$0x1] =	stream.indirect_vreg.gather [hbm4b:s9+s4], $0x80, v4, vm0, $0xb8;
	[tilespmem:$0x18100] =	vst v63  }
0x101: {  	s31 =	simm.s32 $0x4900  }
0x102: {  	[tilespmem:s31], [sflag:$0x1] =	stream.indirect_vreg.gather [hbm4b:s2+s4], $0x80, v3, vm0, $0xb8;
	[tilespmem:$0x18100] =	vst v63  }
0x103: {  	s30 =	simm.s32 $0x5100  }
0x104: {  	[tilespmem:s30], [sflag:$0x1] =	stream.indirect_vreg.gather [hbm4b:s8+s4], $0x80, v3, vm0, $0xb8;
	[tilespmem:$0x18100] =	vst v63  }
0x105: {  	s31 =	simm.s32 $0x5900  }
0x106: {  	[tilespmem:s31], [sflag:$0x1] =	stream.indirect_vreg.gather [hbm4b:s9+s4], $0x80, v3, vm0, $0xb8;
	[tilespmem:$0x18100] =	vst v63  }
0x107: {  	v3 =	vld [tilespmem:$0x20];
	_ =	sdelay $0x4  }
0x108: {  	v62 =	vshrl.u32 v3, $0x3  }
0x109: {  	v4 =	vmul.u32 $0x30, v62  }
0x10a: {  	v3 =	vand.u32 $0x7, v3  }
0x10b: {  	v3 =	vor.u32 v3, v4  }
0x10c: {  	v4 =	vperm.xlane v3, v0;
	_ =	sdelay $0x1  }
0x10d: {  	v4 =	vadd.s32 v1, v4;
	_ =	sdelay $0x3  }
0x10e: {  	s30 =	simm.s32 $0x6100;
	v3 =	vperm.xlane v3, v2  }
0x10f: {  	[tilespmem:s30], [sflag:$0x1] =	stream.indirect_vreg.gather [hbm4b:s2+s4], $0x80, v4, vm0, $0xb8;
	[tilespmem:$0x18100] =	vst v63  }
0x110: {  	s31 =	simm.s32 $0x6900;
	v3 =	vadd.s32 v1, v3  }
0x111: {  	[tilespmem:s31], [sflag:$0x1] =	stream.indirect_vreg.gather [hbm4b:s8+s4], $0x80, v4, vm0, $0xb8;
	[tilespmem:$0x18100] =	vst v63  }
0x112: {  	s30 =	simm.s32 $0x7100  }
0x113: {  	[tilespmem:s30], [sflag:$0x1] =	stream.indirect_vreg.gather [hbm4b:s9+s4], $0x80, v4, vm0, $0xb8;
	[tilespmem:$0x18100] =	vst v63  }
0x114: {  	s31 =	simm.s32 $0x7900  }
0x115: {  	[tilespmem:s31], [sflag:$0x1] =	stream.indirect_vreg.gather [hbm4b:s2+s4], $0x80, v3, vm0, $0xb8;
	[tilespmem:$0x18100] =	vst v63  }
0x116: {  	s30 =	simm.s32 $0x8100  }
0x117: {  	[tilespmem:s30], [sflag:$0x1] =	stream.indirect_vreg.gather [hbm4b:s8+s4], $0x80, v3, vm0, $0xb8;
	[tilespmem:$0x18100] =	vst v63  }
0x118: {  	s31 =	simm.s32 $0x8900  }
0x119: {  	[tilespmem:s31], [sflag:$0x1] =	stream.indirect_vreg.gather [hbm4b:s9+s4], $0x80, v3, vm0, $0xb8;
	[tilespmem:$0x18100] =	vst v63  }
0x11a: {  	v3 =	vld [tilespmem:$0x30];
	_ =	sdelay $0x4  }
0x11b: {  	v63 =	vshrl.u32 v3, $0x3  }
0x11c: {  	v4 =	vmul.u32 $0x30, v63  }
0x11d: {  	v3 =	vand.u32 $0x7, v3  }
0x11e: {  	v3 =	vor.u32 v3, v4  }
0x11f: {  	v4 =	vperm.xlane v3, v0;
	_ =	sdelay $0x1  }
0x120: {  	v4 =	vadd.s32 v1, v4;
	_ =	sdelay $0x3  }
0x121: {  	s30 =	simm.s32 $0x9100;
	v3 =	vperm.xlane v3, v2  }
0x122: {  	[tilespmem:s30], [sflag:$0x1] =	stream.indirect_vreg.gather [hbm4b:s2+s4], $0x80, v4, vm0, $0xb8;
	[tilespmem:$0x18100] =	vst v63  }
0x123: {  	s31 =	simm.s32 $0x9900;
	v3 =	vadd.s32 v1, v3  }
0x124: {  	[tilespmem:s31], [sflag:$0x1] =	stream.indirect_vreg.gather [hbm4b:s8+s4], $0x80, v4, vm0, $0xb8;
	[tilespmem:$0x18100] =	vst v63  }
0x125: {  	s30 =	simm.s32 $0xA100  }
0x126: {  	[tilespmem:s30], [sflag:$0x1] =	stream.indirect_vreg.gather [hbm4b:s9+s4], $0x80, v4, vm0, $0xb8;
	[tilespmem:$0x18100] =	vst v63  }
0x127: {  	s31 =	simm.s32 $0xA900  }
0x128: {  	[tilespmem:s31], [sflag:$0x1] =	stream.indirect_vreg.gather [hbm4b:s2+s4], $0x80, v3, vm0, $0xb8;
	[tilespmem:$0x18100] =	vst v63  }
.Ltmp5:
0x129: {  	_ = 	snop;
	(pc) =	sbr.rel .LBB2_4-.Ltmp5, $4  }
0x12a: {  	s30 =	simm.s32 $0xB100  }
0x12b: {  	[tilespmem:s30], [sflag:$0x1] =	stream.indirect_vreg.gather [hbm4b:s8+s4], $0x80, v3, vm0, $0xb8;
	[tilespmem:$0x18100] =	vst v63  }
0x12c: {  	s31 =	simm.s32 $0xB900  }
0x12d: {  	[tilespmem:s31], [sflag:$0x1] =	stream.indirect_vreg.gather [hbm4b:s9+s4], $0x80, v3, vm0, $0xb8;
	[tilespmem:$0x18100] =	vst v63  }
.LBB2_6:
0x12e: {  	_ =	sfence.sel $0x180000  }
0x12f: {  	[bflag:$0x0] =	sbarrier.arrive $0xFFFF  }
0x130: {  	_ =	strace $0x90000047  }
0x131: {  	s0 =	stileid.u32;
	[bflag:$0x2] =	sbarrier.arrive $0xFFFF  }
0x132: {  	p0 =	sne.s32 s0, $0x0;
	s0 =	rddreg [dreg:$0x3]  }
0x133: {  	s0 =	sadd.s32 @!p0 $0x100000, s0  }
0x134: {  	[sflag:s0] =	ssyncadd.tile.s32 @!p0 $0x1;
	_ =	shalt  }
.Lfunc_end2:
_tile_overlayer_lowered:
.L_overlay_start_2:
0x135: {  	(tag) =	ssettag $0x2  }
0x136: {  	s0 =	rddreg [dreg:$0x0];
	s2 =	stileid.u32  }
0x137: {  	s1 =	rddreg [dreg:$0x1];
	p0 =	sne.s32 s2, $0x0  }
0x138: {  	s3 =	rddreg [dreg:$0x2];
	[bflag:$0x3] =	sbarrier.arrive $0xFFFF;
	s2 =	simm.s32 @!p0 $0x1C05  }
0x139: {  	[timem:s3], [sflag:s2] =	dma.local @!p0 [hbm:s0], s1  }
0x13a: {  	s0 =	simm.s32 @!p0 $0x5  }
0x13b: {  	_ =	swait.ge @!p0 [sflag:s0], s1  }
0x13c: {  	s1 =	ssub.s32 @!p0 $0x0, s1;
	[sflag:s0] =	ssyncset.done @!p0 $0x0  }
0x13d: {  	[sflag:s0] =	ssyncadd.s32 @!p0 s1  }
0x13e: {  	[bflag:$0x3] =	sbarrier.arrive $0xFFFF  }
0x13f: {  	_ =	shalt  }

// kernel: kernel.9.cloned.1.call-start
scs
__scs_entry_jumppad:
0x0: {  	(pc) =	sbr.rel $0x88, $3  }
0x1: {  	(tag) =	ssettag $0x0;
	lr =	simm.s32 $0x1  }
0x2: {  	[smem:$0x3F9A] =	sst lr;
	_ =	strace $0xD0000000  }
0x3: {  	_ = 	snop  }
0x4: {  	_ = 	snop  }
0x5: {  	_ = 	snop  }
0x6: {  	_ = 	snop  }
0x7: {  	_ = 	snop  }
__scs_overlays_trampoline_lowered:
0x8: {  	[smem:$0x3FA9] =	sst s0  }
0x9: {  	[smem:$0x3FAA] =	sst s1  }
0xa: {  	[smem:$0x3FAB] =	sst s2  }
0xb: {  	[smem:$0x3FAC] =	sst s3  }
0xc: {  	[smem:$0x3FAD] =	sst s4  }
0xd: {  	[smem:$0x3FAE] =	sst s5  }
0xe: {  	[smem:$0x3FAF] =	sst s6  }
0xf: {  	[smem:$0x3FB0] =	sst s7  }
0x10: {  	[smem:$0x3FB1] =	sst s8  }
0x11: {  	[smem:$0x3FB2] =	sst s9;
	s0 =	simm.s32 @!p0 $0x0  }
0x12: {  	s1 =	sld [smem:$0x3F98];
	s0 =	simm.s32 @p0 $0x1  }
0x13: {  	[smem:$0x3FB3] =	sst s0;
	s0 =	simm.s32 @!p1 $0x0  }
0x14: {  	s2 =	sld [smem:$0x3F97];
	s0 =	simm.s32 @p1 $0x1  }
0x15: {  	[smem:$0x3FB4] =	sst s0;
	s0 =	simm.s32 @!p2 $0x0  }
0x16: {  	s3 =	sld [smem:$0x3FDB];
	s0 =	simm.s32 @p2 $0x1  }
0x17: {  	s4 =	simm.s32 $0x1BF5;
	[smem:$0x3FB6] =	sst s0  }
0x18: {  	s0 =	sld [smem:$0x3F99];
	_ =	swait.ge [sflag:s4], $0x0  }
0x19: {  	s7 =	sld [smem:$0x3F9A]  }
0x1a: {  	s8 =	sadd.s32 $0xFFFFE003, lr  }
0x1b: {  	s9 =	sadd.s32 $0xFFFFFEF7, lr;
	s5 =	simm.s32 $0xFFFFFFFF;
	p2 =	slt.u32 s8, $0xFFFFF086  }
0x1c: {  	p1 =	slt.u32 s9, $0xF7A;
	s5 =	simm.s32 @!p2 $0x0  }
0x1d: {  	s5 =	simm.s32 @p1 $0x1;
	p0 =	seq.s32 s7, s2  }
0x1e: {  	s7 =	smul.u32 @!p0 $0xF7A, s2;
	p2 =	seq.s32 @!p0 s5, $0x0  }
0x1f: {  	s9 =	smul.u32 $0xF7A, s1;
	s8 =	simm.s32 @!p0 $0x1BF5;
	p2 =	por !p2, p0  }
0x20: {  	[sflag:s8] =	ssyncset.s32 @!p0 $0xFFFFF086;
	s6 =	sadd.s32 @!p0 s3, s7;
	s7 =	simm.s32 @!p0 $0x108  }
0x21: {  	s3 =	sadd.s32 s3, s9;
	s6 =	sadd.s32 @!p0 $0x88, s6;
	s7 =	simm.s32 @p2 $0x1082  }
0x22: {  	[simem:s7], [sflag:s8] =	dma.local @!p0 [hbm:s6], $0xF7A  }
0x23: {  	s9 =	sor.u32 $0xD0000000, s2;
	s6 =	simm.s32 $0x108;
	_ =	swait.ge @!p0 [sflag:s8], $0x0  }
0x24: {  	s3 =	sadd.s32 $0x88, s3;
	s6 =	simm.s32 @!p1 $0x1082;
	[sflag:s4] =	ssyncset.s32 $0xFFFFF086  }
0x25: {  	[simem:s6], [sflag:s4] =	dma.local [hbm:s3], $0xF7A  }
0x26: {  	[smem:$0x3F9A] =	sst s1;
	(tag) =	ssettag s2;
	_ =	strace s9  }
0x27: {  	s1 =	sld [smem:$0x3FAA]  }
0x28: {  	s2 =	sld [smem:$0x3FAB]  }
0x29: {  	s4 =	sld [smem:$0x3FAD]  }
0x2a: {  	p0 =	seq.s32 s5, $0x0;
	s5 =	sld [smem:$0x3FAE]  }
0x2b: {  	s6 =	sld [smem:$0x3FAF]  }
0x2c: {  	s7 =	sld [smem:$0x3FB0]  }
0x2d: {  	s3 =	simm.s32 $0x108;
	s8 =	sld [smem:$0x3FB1]  }
0x2e: {  	s3 =	simm.s32 @!p0 $0x1082;
	s9 =	sld [smem:$0x3FB2]  }
0x2f: {  	lr =	sadd.s32 s0, s3;
	s0 =	sld [smem:$0x3FA9]  }
0x30: {  	s3 =	sld [smem:$0x3FAC]  }
0x31: {  	[smem:$0x3FB5] =	sst s10  }
0x32: {  	s10 =	sld [smem:$0x3FB3];
	_ =	sdelay $0x3  }
0x33: {  	p0 =	seq.s32 s10, $0x1;
	s10 =	sld [smem:$0x3FB5];
	_ =	sdelay $0x3  }
0x34: {  	[smem:$0x3FB5] =	sst s10  }
0x35: {  	s10 =	sld [smem:$0x3FB4];
	_ =	sdelay $0x3  }
0x36: {  	p1 =	seq.s32 s10, $0x1;
	s10 =	sld [smem:$0x3FB5];
	_ =	sdelay $0x3  }
0x37: {  	[smem:$0x3FB5] =	sst s10  }
0x38: {  	s10 =	sld [smem:$0x3FB6]  }
0x39: {  	_ = 	snop;
	(pc) =	sbr.ind lr, $3  }
0x3a: {  	_ = 	snop  }
0x3b: {  	_ = 	snop  }
0x3c: {  	p2 =	seq.s32 s10, $0x1;
	s10 =	sld [smem:$0x3FB5]  }
0x3d: {  	_ =	shalt  }
0x3e: {  	_ =	shalt  }
0x3f: {  	_ =	shalt  }
0x40: {  	_ =	shalt  }
0x41: {  	_ =	shalt  }
0x42: {  	_ =	shalt  }
0x43: {  	_ =	shalt  }
0x44: {  	_ =	shalt  }
0x45: {  	_ =	shalt  }
0x46: {  	_ =	shalt  }
0x47: {  	_ =	shalt  }
0x48: {  	_ =	shalt  }
0x49: {  	_ =	shalt  }
0x4a: {  	_ =	shalt  }
0x4b: {  	_ =	shalt  }
0x4c: {  	_ =	shalt  }
0x4d: {  	_ =	shalt  }
0x4e: {  	_ =	shalt  }
0x4f: {  	_ =	shalt  }
0x50: {  	_ =	shalt  }
0x51: {  	_ =	shalt  }
0x52: {  	_ =	shalt  }
0x53: {  	_ =	shalt  }
0x54: {  	_ =	shalt  }
0x55: {  	_ =	shalt  }
0x56: {  	_ =	shalt  }
0x57: {  	_ =	shalt  }
0x58: {  	_ =	shalt  }
0x59: {  	_ =	shalt  }
0x5a: {  	_ =	shalt  }
0x5b: {  	_ =	shalt  }
0x5c: {  	_ =	shalt  }
0x5d: {  	_ =	shalt  }
0x5e: {  	_ =	shalt  }
0x5f: {  	_ =	shalt  }
0x60: {  	_ =	shalt  }
0x61: {  	_ =	shalt  }
0x62: {  	_ =	shalt  }
0x63: {  	_ =	shalt  }
0x64: {  	_ =	shalt  }
0x65: {  	_ =	shalt  }
0x66: {  	_ =	shalt  }
0x67: {  	_ =	shalt  }
0x68: {  	_ =	shalt  }
0x69: {  	_ =	shalt  }
0x6a: {  	_ =	shalt  }
0x6b: {  	_ =	shalt  }
0x6c: {  	_ =	shalt  }
0x6d: {  	_ =	shalt  }
0x6e: {  	_ =	shalt  }
0x6f: {  	_ =	shalt  }
0x70: {  	_ =	shalt  }
0x71: {  	_ =	shalt  }
0x72: {  	_ =	shalt  }
0x73: {  	_ =	shalt  }
0x74: {  	_ =	shalt  }
0x75: {  	_ =	shalt  }
0x76: {  	_ =	shalt  }
0x77: {  	_ =	shalt  }
0x78: {  	_ =	shalt  }
0x79: {  	_ =	shalt  }
0x7a: {  	_ =	shalt  }
0x7b: {  	_ =	shalt  }
0x7c: {  	_ =	shalt  }
0x7d: {  	_ =	shalt  }
0x7e: {  	_ =	shalt  }
0x7f: {  	_ =	shalt  }
0x80: {  	_ =	shalt  }
0x81: {  	_ =	shalt  }
0x82: {  	_ =	shalt  }
0x83: {  	_ =	shalt  }
0x84: {  	_ =	shalt  }
0x85: {  	_ =	shalt  }
0x86: {  	_ =	shalt  }
0x87: {  	_ =	shalt  }
.Lfunc_end0:
.L_simem_size_0:
called_computation.1_lowered:
.L_overlay_start_0:
0x88: {  	s2 =	sld [smem:$0x3FD9]  }
0x89: {  	s3 =	sld [smem:$0x3FFE];
	_ =	sdelay $0x1  }
0x8a: {  	s1 =	srdreg.scid  }
0x8b: {  	s0 =	sand.u32 $0x1, s1  }
0x8c: {  	s17 =	sshll.u32 s0, $0xA;
	s2 =	sadd.s32 s3, s2  }
0x8d: {  	s2 =	sadd.s32 s2, s17  }
0x8e: {  	[smem:$0x3FC1] =	sst s2  }
0x8f: {  	_ = 	snop  }
0x90: {  	s18 =	sld [smem:$0x3FC7];
	(tm) =	ssettm $0x1  }
0x91: {  	s19 =	sld [smem:$0x3FFB];
	_ =	sdelay $0x3  }
0x92: {  	_ =	strace s19  }
0x93: {  	s2 =	sld [smem:$0x3FFC];
	_ =	sdelay $0x3  }
0x94: {  	_ =	strace s2  }
0x95: {  	s2 =	sld [smem:$0x3FFD];
	_ =	sdelay $0x3  }
0x96: {  	_ =	strace s2  }
0x97: {  	_ =	strace $0x8FFFFFFF  }
0x98: {  	s20 =	sld [smem:$0x3FDB];
	_ =	sdelay $0x1  }
0x99: {  	s4 =	simm.s32 $_scs_section_size  }
0x9a: {  	s5 =	simm.s32 $_size__tile_overlayer_lowered;
	s6 =	simm.s32 $_tile_overlayer_lowered  }
0x9b: {  	s7 =	simm.s32 $0x1BFF;
	s21 =	sshll.u32 s6, $0x1;
	s4 =	sadd.s32 s4, s20  }
0x9c: {  	s22 =	simm.s32 $0x0;
	s5 =	sshll.u32 s5, $0x1;
	s6 =	sadd.s32 s21, s4  }
0x9d: {  	[timem:s22], [sflag:s7] =	dma.local [hbm:s6], s5  }
0x9e: {  	_ =	swait.ge [sflag:s7], s5  }
0x9f: {  	s5 =	ssub.s32 $0x0, s5;
	[sflag:s7] =	ssyncset.done $0x0  }
0xa0: {  	[sflag:s7] =	ssyncadd.s32 s5;
	_ =	sdelay $0x1  }
0xa1: {  	s23 =	simm.s32 $0x1B8B  }
0xa2: {  	_ =	swait.ge [sflag:s23], $0x1  }
0xa3: {  	[sflag:s23] =	ssyncset.done $0x0  }
0xa4: {  	[sflag:s23] =	ssyncadd.s32 $0xFFFFFFFF  }
0xa5: {  	s5 =	sld [smem:$0x0]  }
0xa6: {  	s6 =	sand.u32 $0xFFFFFFFE, s1  }
0xa7: {  	p0 =	sne.s32 s1, s6  }
0xa8: {  	s6 =	sshll.u32 @p0 s6, $0xE  }
0xa9: {  	s6 =	sadd.s32 @p0 $0x11B8D, s6;
	s7 =	sshll.u32 @p0 s5, $0x11  }
0xaa: {  	s6 =	sor.u32 @p0 s7, s6  }
0xab: {  	[sflag:s6] =	ssyncadd.remote.s32 @p0 $0x1;
	_ =	sdelay $0x1  }
0xac: {  	s6 =	simm.s32 @p0 $0x1B8D  }
0xad: {  	_ =	swait.eq @p0 [sflag:s6], $0x1  }
0xae: {  	[sflag:s6] =	ssyncadd.s32 @p0 $0xFFFFFFFF  }
0xaf: {  	s7 =	sshll.u32 @!p0 s1, $0xE  }
0xb0: {  	s7 =	sor.u32 @!p0 $0x4000, s7;
	s6 =	simm.s32 @!p0 $0x1B8D  }
0xb1: {  	s5 =	sshll.u32 @!p0 s5, $0x11;
	s7 =	sadd.s32 @!p0 $0x11B8D, s7;
	_ =	swait.eq @!p0 [sflag:s6], $0x1  }
0xb2: {  	s5 =	sor.u32 @!p0 s5, s7;
	[sflag:s6] =	ssyncadd.s32 @!p0 $0xFFFFFFFF  }
0xb3: {  	s25 =	simm.s32 $0x1B8E;
	s24 =	sld [smem:$0x3FFE];
	[sflag:s5] =	ssyncadd.remote.s32 @!p0 $0x1  }
0xb4: {  	s26 =	simm.s32 $execute0_lowered;
	[smem:$0x3FD2] =	sst s25  }
0xb5: {  	s6 =	sshll.u32 s26, $0x1;
	_ =	strace $0x80000049;
	[dreg:$0x1] =	wrdreg $0xFFFFFFFF  }
0xb6: {  	s28 =	simm.s32 $_size_execute0_lowered;
	s4 =	sadd.s32 s4, s6;
	[dreg:$0x0] =	wrdreg $0x0  }
0xb7: {  	s6 =	sshll.u32 s28, $0x1;
	[dreg:$0x2] =	wrdreg s4  }
0xb8: {  	[dreg:$0x3] =	wrdreg s6  }
0xb9: {  	[dreg:$0x4] =	wrdreg $0xC0  }
0xba: {  	_ =	task [dreg:s22], $0x5FFFF  }
0xbb: {  	[dreg:$0x1] =	wrdreg $0xFFFFFFFF  }
0xbc: {  	[dreg:$0x0] =	wrdreg $0x60  }
0xbd: {  	[dreg:$0x2] =	wrdreg s24  }
0xbe: {  	[dreg:$0x3] =	wrdreg s18  }
0xbf: {  	[dreg:$0x4] =	wrdreg $0xA  }
0xc0: {  	_ =	task.clear_ibuf [dreg:s22], $0x5FFFF;
	_ =	strace $0x90000049  }
0xc1: {  	s29 =	simm.s32 $0xA;
	_ =	strace $0x8000004B  }
0xc2: {  	_ =	swait.ge [sflag:s29], $0x1  }
0xc3: {  	[sflag:s29] =	ssyncadd.s32 $0xFFFFFFFF  }
0xc4: {  	_ =	strace $0x9000004B  }
0xc5: {  	_ =	sfence  }
0xc6: {  	s30 =	sld [smem:$0x0];
	_ =	sdelay $0x2  }
0xc7: {  	s31 =	sshll.u32 s1, $0xD;
	s1 =	sshrl.u32 s1, $0x2  }
0xc8: {  	s4 =	sand.u32 $0x4000, s31;
	s1 =	sadd.s32 s1, s30  }
0xc9: {  	s0 =	sor.u32 s4, s0;
	s1 =	sshll.u32 s1, $0x11  }
0xca: {  	s0 =	sor.u32 s1, s0  }
0xcb: {  	s0 =	sadd.s32 $0x8F2B, s0  }
0xcc: {  	[sflag:s0] =	ssyncadd.remote.s32 $0x1  }
0xcd: {  	_ =	sfence.sel $0xFFFF  }
0xce: {  	[dreg:$0x0] =	wrdreg $0xFFFFFFFF;
	(pc) =	sbr.abs _section_cstart, $3  }
0xcf: {  	[dreg:$0x1] =	wrdreg $0xFFFFFFFF  }
0xd0: {  	_ =	task.clear_ibuf [dreg:s22], $0x2FFFF;
	_ =	strace $0x9FFFFFFF  }
0xd1: {  	(tm) =	ssettm $0x7FFFFFFF  }
tec
execute0_lowered:
.L_overlay_start_1:
0x0: {  	(tag) =	ssettag $0x1  }
0x1: {  	s0 =	rddreg [dreg:$0x0]  }
0x2: {  	s1 =	rddreg [dreg:$0x1];
	s3 =	simm.s32 $0x0  }
0x3: {  	s2 =	srdreg.scid;
	s4 =	stileid.u32;
	s12 =	simm.s32 $0x5  }
0x4: {  	s15 =	simm.s32 $0xC100;
	s11 =	simm.s32 $0x15900;
	s13 =	simm.s32 $0x16100  }
0x5: {  	s14 =	simm.s32 $0x16900;
	s16 =	simm.s32 $0x17100;
	s17 =	simm.s32 $0x17900  }
0x6: {  	s18 =	simm.s32 $0x1;
	s19 =	simm.s32 $0x100;
	s20 =	simm.s32 $0x2  }
0x7: {  	s21 =	simm.s32 $0x3;
	s23 =	simm.s32 $0x0;
	[smem:$0x7FF] =	sst s3  }
0x8: {  	s2 =	sand.u32 $0x1, s2;
	s5 =	sshll.u32 s4, $0x8;
	s4 =	sadd.s32 $0x1600, s0  }
0x9: {  	s6 =	sadd.s32 $0x181E00, s0;
	s7 =	ssub.s32 $0x2, s2;
	s2 =	sshll.u32 s2, $0x7  }
.Ltmp0:
0xa: {  	s9 =	sadd.s32 $0x200, s1;
	s5 =	sor.u32 s2, s5;
	(pc) =	sbr.rel .LBB2_1-.Ltmp0, $4  }
0xb: {  	_ =	strace $0x8000004A;
	s8 =	sshrl.u32 s7, $0x1;
	s2 =	sshrl.u32 s5, $0x1  }
0xc: {  	v2 =	vlaneseq.u32;
	s31 =	ssub.s32 s7, s8;
	s8 =	sadd.s32 $0x100, s1;
	s2 =	sadd.s32 s4, s2  }
0xd: {  	vm0 =	vmmov $0xffff;
	v1 =	vshrl.u32 v2, $0x3;
	s10 =	sshll.u32 s5, $0x2;
	s0 =	smax.u32 s31, $0x1;
	[dreg:$0x3] =	wrdreg s2  }
0xe: {  	v0 =	vand.u32 $0x7, v2;
	v2 =	vor.u32 $0x8, v2;
	v1 =	vmul.u32 $0x8, v1;
	s7 =	simm.s32 $0x15100;
	[dreg:$0x4] =	wrdreg s0;
	s2 =	simm.s32 $0x14900  }
.LBB2_5:
0xf: {  	_ =	swait.ge [sflag:s21], $0xC000  }
0x10: {  	[sflag:s21] =	ssyncset.done $0x0  }
0x11: {  	s22 =	simm.s32 $0x4;
	[sflag:s21] =	ssyncadd.s32 $0xFFFF4000  }
0x12: {  	_ =	swait.ge [sflag:s22], $0xC000  }
0x13: {  	s23 =	rddreg [dreg:$0x5]  }
0x14: {  	s0 =	rddreg [dreg:$0x4];
	s23 =	sadd.s32 $0x1, s23  }
0x15: {  	p0 =	sne.s32 s23, s0  }
.Ltmp1:
0x16: {  	_ = 	snop;
	(pc) =	sbr.rel @!p0 .LBB2_6-.Ltmp1, $3  }
0x17: {  	_ =	sdelay $0x1  }
0x18: {  	[sflag:s22] =	ssyncset.done $0x0  }
0x19: {  	[sflag:s22] =	ssyncadd.s32 $0xFFFF4000  }
.LBB2_1:
0x1a: {  	[dreg:$0x5] =	wrdreg s23  }
0x1b: {  	s0 =	rddreg [dreg:$0x3]  }
0x1c: {  	[tilespmem:s3], [sflag:$0x5] =	stream.linear.gather [hbm4b:s0+s3], $0x40, $0x38;
	[tilespmem:$0x18100] =	vst v63  }
0x1d: {  	_ =	swait.ge [sflag:s12], $0x40  }
0x1e: {  	[sflag:s12] =	ssyncset.done $0x0  }
0x1f: {  	[sflag:s12] =	ssyncadd.s32 $0xFFFFFFC0  }
0x20: {  	v3 =	vld [tilespmem:$0x0];
	_ =	sdelay $0x4  }
0x21: {  	v4 =	vshrl.u32 v3, $0x3  }
0x22: {  	v4 =	vmul.u32 $0x30, v4  }
0x23: {  	v3 =	vand.u32 $0x7, v3  }
0x24: {  	v3 =	vor.u32 v3, v4  }
0x25: {  	v4 =	vperm.xlane v3, v0;
	_ =	sdelay $0x1  }
0x26: {  	v4 =	vadd.s32 v1, v4;
	_ =	sdelay $0x3  }
0x27: {  	v3 =	vperm.xlane v3, v2  }
0x28: {  	[tilespmem:s19], [sflag:$0x1] =	stream.indirect_vreg.gather [hbm4b:s1+s3], $0x80, v4, vm0, $0xb8;
	[tilespmem:$0x18100] =	vst v63  }
0x29: {  	s23 =	simm.s32 $0x900;
	v3 =	vadd.s32 v1, v3  }
0x2a: {  	[tilespmem:s23], [sflag:$0x1] =	stream.indirect_vreg.gather [hbm4b:s8+s3], $0x80, v4, vm0, $0xb8;
	[tilespmem:$0x18100] =	vst v63  }
0x2b: {  	s24 =	simm.s32 $0x1100  }
0x2c: {  	[tilespmem:s24], [sflag:$0x1] =	stream.indirect_vreg.gather [hbm4b:s9+s3], $0x80, v4, vm0, $0xb8;
	[tilespmem:$0x18100] =	vst v63  }
0x2d: {  	s25 =	simm.s32 $0x1900  }
0x2e: {  	[tilespmem:s25], [sflag:$0x1] =	stream.indirect_vreg.gather [hbm4b:s1+s3], $0x80, v3, vm0, $0xb8;
	[tilespmem:$0x18100] =	vst v63  }
0x2f: {  	s26 =	simm.s32 $0x2100  }
0x30: {  	[tilespmem:s26], [sflag:$0x1] =	stream.indirect_vreg.gather [hbm4b:s8+s3], $0x80, v3, vm0, $0xb8;
	[tilespmem:$0x18100] =	vst v63  }
0x31: {  	s29 =	simm.s32 $0x2900  }
0x32: {  	[tilespmem:s29], [sflag:$0x1] =	stream.indirect_vreg.gather [hbm4b:s9+s3], $0x80, v3, vm0, $0xb8;
	[tilespmem:$0x18100] =	vst v63  }
0x33: {  	v3 =	vld [tilespmem:$0x10];
	_ =	sdelay $0x4  }
0x34: {  	v61 =	vshrl.u32 v3, $0x3  }
0x35: {  	v4 =	vmul.u32 $0x30, v61  }
0x36: {  	v3 =	vand.u32 $0x7, v3  }
0x37: {  	v3 =	vor.u32 v3, v4  }
0x38: {  	v4 =	vperm.xlane v3, v0;
	_ =	sdelay $0x1  }
0x39: {  	v4 =	vadd.s32 v1, v4;
	_ =	sdelay $0x3  }
0x3a: {  	s30 =	simm.s32 $0x3100;
	v3 =	vperm.xlane v3, v2  }
0x3b: {  	[tilespmem:s30], [sflag:$0x1] =	stream.indirect_vreg.gather [hbm4b:s1+s3], $0x80, v4, vm0, $0xb8;
	[tilespmem:$0x18100] =	vst v63  }
0x3c: {  	s31 =	simm.s32 $0x3900;
	v3 =	vadd.s32 v1, v3  }
0x3d: {  	[tilespmem:s31], [sflag:$0x1] =	stream.indirect_vreg.gather [hbm4b:s8+s3], $0x80, v4, vm0, $0xb8;
	[tilespmem:$0x18100] =	vst v63  }
0x3e: {  	s22 =	simm.s32 $0x4100  }
0x3f: {  	[tilespmem:s22], [sflag:$0x1] =	stream.indirect_vreg.gather [hbm4b:s9+s3], $0x80, v4, vm0, $0xb8;
	[tilespmem:$0x18100] =	vst v63  }
0x40: {  	s23 =	simm.s32 $0x4900  }
0x41: {  	[tilespmem:s23], [sflag:$0x1] =	stream.indirect_vreg.gather [hbm4b:s1+s3], $0x80, v3, vm0, $0xb8;
	[tilespmem:$0x18100] =	vst v63  }
0x42: {  	s24 =	simm.s32 $0x5100  }
0x43: {  	[tilespmem:s24], [sflag:$0x1] =	stream.indirect_vreg.gather [hbm4b:s8+s3], $0x80, v3, vm0, $0xb8;
	[tilespmem:$0x18100] =	vst v63  }
0x44: {  	s25 =	simm.s32 $0x5900  }
0x45: {  	[tilespmem:s25], [sflag:$0x1] =	stream.indirect_vreg.gather [hbm4b:s9+s3], $0x80, v3, vm0, $0xb8;
	[tilespmem:$0x18100] =	vst v63  }
0x46: {  	v3 =	vld [tilespmem:$0x20];
	_ =	sdelay $0x4  }
0x47: {  	v62 =	vshrl.u32 v3, $0x3  }
0x48: {  	v4 =	vmul.u32 $0x30, v62  }
0x49: {  	v3 =	vand.u32 $0x7, v3  }
0x4a: {  	v3 =	vor.u32 v3, v4  }
0x4b: {  	v4 =	vperm.xlane v3, v0;
	_ =	sdelay $0x1  }
0x4c: {  	v4 =	vadd.s32 v1, v4;
	_ =	sdelay $0x3  }
0x4d: {  	s26 =	simm.s32 $0x6100;
	v3 =	vperm.xlane v3, v2  }
0x4e: {  	[tilespmem:s26], [sflag:$0x1] =	stream.indirect_vreg.gather [hbm4b:s1+s3], $0x80, v4, vm0, $0xb8;
	[tilespmem:$0x18100] =	vst v63  }
0x4f: {  	s29 =	simm.s32 $0x6900;
	v3 =	vadd.s32 v1, v3  }
0x50: {  	[tilespmem:s29], [sflag:$0x1] =	stream.indirect_vreg.gather [hbm4b:s8+s3], $0x80, v4, vm0, $0xb8;
	[tilespmem:$0x18100] =	vst v63  }
0x51: {  	s30 =	simm.s32 $0x7100  }
0x52: {  	[tilespmem:s30], [sflag:$0x1] =	stream.indirect_vreg.gather [hbm4b:s9+s3], $0x80, v4, vm0, $0xb8;
	[tilespmem:$0x18100] =	vst v63  }
0x53: {  	s31 =	simm.s32 $0x7900  }
0x54: {  	[tilespmem:s31], [sflag:$0x1] =	stream.indirect_vreg.gather [hbm4b:s1+s3], $0x80, v3, vm0, $0xb8;
	[tilespmem:$0x18100] =	vst v63  }
0x55: {  	s22 =	simm.s32 $0x8100  }
0x56: {  	[tilespmem:s22], [sflag:$0x1] =	stream.indirect_vreg.gather [hbm4b:s8+s3], $0x80, v3, vm0, $0xb8;
	[tilespmem:$0x18100] =	vst v63  }
0x57: {  	s23 =	simm.s32 $0x8900  }
0x58: {  	[tilespmem:s23], [sflag:$0x1] =	stream.indirect_vreg.gather [hbm4b:s9+s3], $0x80, v3, vm0, $0xb8;
	[tilespmem:$0x18100] =	vst v63  }
0x59: {  	v3 =	vld [tilespmem:$0x30];
	_ =	sdelay $0x4  }
0x5a: {  	v63 =	vshrl.u32 v3, $0x3  }
0x5b: {  	v4 =	vmul.u32 $0x30, v63  }
0x5c: {  	v3 =	vand.u32 $0x7, v3  }
0x5d: {  	v3 =	vor.u32 v3, v4  }
0x5e: {  	v4 =	vperm.xlane v3, v0;
	_ =	sdelay $0x1  }
0x5f: {  	v4 =	vadd.s32 v1, v4;
	_ =	sdelay $0x3  }
0x60: {  	s24 =	simm.s32 $0x9100;
	v3 =	vperm.xlane v3, v2  }
0x61: {  	[tilespmem:s24], [sflag:$0x1] =	stream.indirect_vreg.gather [hbm4b:s1+s3], $0x80, v4, vm0, $0xb8;
	[tilespmem:$0x18100] =	vst v63  }
0x62: {  	s25 =	simm.s32 $0x9900;
	v3 =	vadd.s32 v1, v3  }
0x63: {  	[tilespmem:s25], [sflag:$0x1] =	stream.indirect_vreg.gather [hbm4b:s8+s3], $0x80, v4, vm0, $0xb8;
	[tilespmem:$0x18100] =	vst v63  }
0x64: {  	s26 =	simm.s32 $0xA100  }
0x65: {  	[tilespmem:s26], [sflag:$0x1] =	stream.indirect_vreg.gather [hbm4b:s9+s3], $0x80, v4, vm0, $0xb8;
	[tilespmem:$0x18100] =	vst v63  }
0x66: {  	s29 =	simm.s32 $0xA900  }
0x67: {  	[tilespmem:s29], [sflag:$0x1] =	stream.indirect_vreg.gather [hbm4b:s1+s3], $0x80, v3, vm0, $0xb8;
	[tilespmem:$0x18100] =	vst v63  }
.Ltmp2:
0x68: {  	s28 =	simm.s32 $0x0;
	s30 =	simm.s32 $0xB100;
	(pc) =	sbr.rel .LBB2_2-.Ltmp2, $4  }
0x69: {  	s31 =	simm.s32 $0xB900;
	s22 =	simm.s32 $0x1000;
	s23 =	simm.s32 $0x2000  }
0x6a: {  	[tilespmem:s30], [sflag:$0x1] =	stream.indirect_vreg.gather [hbm4b:s8+s3], $0x80, v3, vm0, $0xb8;
	[tilespmem:$0x18100] =	vst v63  }
0x6b: {  	s24 =	simm.s32 $0x2;
	s25 =	simm.s32 $0x0;
	s26 =	simm.s32 $0x100  }
0x6c: {  	[tilespmem:s31], [sflag:$0x1] =	stream.indirect_vreg.gather [hbm4b:s9+s3], $0x80, v3, vm0, $0xb8;
	[tilespmem:$0x18100] =	vst v63  }
.LBB2_4:
0x6d: {  	s26 =	sadd.s32 $0x100, s26  }
0x6e: {  	p0 =	sne.s32 s26, $0x500  }
.Ltmp3:
0x6f: {  	_ =	swait.ge [sflag:s20], $0xC000;
	s0 =	sadd.s32 $0x300000, s29;
	(pc) =	sbr.rel @!p0 .LBB2_5-.Ltmp3, $4  }
0x70: {  	s28 =	sadd.s32 $0x1, s28;
	s22 =	sadd.s32 $0x2000, s22;
	s25 =	sadd.s32 $0x600000, s25  }
0x71: {  	s24 =	sadd.s32 $0x2, s24;
	[sflag:s20] =	ssyncset.done $0x0;
	s0 =	sshrl.u32 s0, $0x3  }
0x72: {  	s23 =	sadd.s32 $0x2000, s23;
	[sflag:s20] =	ssyncadd.s32 $0xFFFF4000;
	s0 =	sadd.s32 s6, s0  }
0x73: {  	[hbm4b:s0+s3] =	stream.linear.scatter [tilespmem:s15], [sflag:$0x4], $0xC000, $0x38;
	[tilespmem:$0x18100] =	vst v63  }
.LBB2_2:
0x74: {  	s29 =	sshrl.u32 s28, $0x1  }
0x75: {  	s30 =	sshll.u32 s29, $0xE  }
0x76: {  	s30 =	ssub.s32 s22, s30  }
0x77: {  	p0 =	seq.s32 s26, $0x100;
	s31 =	sadd.s32 $0xFFFFFF80, s26;
	s30 =	sand.u32 $0xFFFFC000, s30  }
0x78: {  	s0 =	sshll.u32 s28, $0x5;
	s31 =	sand.u32 $0x180, s31;
	s30 =	sor.u32 s10, s30  }
0x79: {  	s0 =	sand.u32 $0xFFFFFFC0, s0;
	s30 =	sor.u32 s31, s30;
	s31 =	simm.s32 @!p0 $0x4  }
0x7a: {  	s0 =	sadd.s32 s0, s30;
	_ =	swait.ge @!p0 [sflag:s31], $0xC000  }
0x7b: {  	[sflag:s31] =	ssyncset.done @!p0 $0x0;
	s0 =	sshrl.u32 s0, $0x3  }
0x7c: {  	[sflag:s31] =	ssyncadd.s32 @!p0 $0xFFFF4000;
	s0 =	sadd.s32 s4, s0;
	s31 =	simm.s32 $0x80  }
0x7d: {  	[tilespmem:s31], [sflag:$0x5] =	stream.linear.gather [hbm4b:s0+s3], $0x40, $0x38;
	[tilespmem:$0x18100] =	vst v63  }
0x7e: {  	_ =	swait.ge [sflag:s12], $0x40  }
0x7f: {  	[sflag:s12] =	ssyncset.done $0x0  }
0x80: {  	[sflag:s12] =	ssyncadd.s32 $0xFFFFFFC0  }
0x81: {  	v3 =	vld [tilespmem:$0x80];
	_ =	sdelay $0x4  }
0x82: {  	v4 =	vshrl.u32 v3, $0x3  }
0x83: {  	v4 =	vmul.u32 $0x30, v4  }
0x84: {  	v3 =	vand.u32 $0x7, v3  }
0x85: {  	v3 =	vor.u32 v3, v4  }
0x86: {  	v4 =	vperm.xlane v3, v0;
	_ =	sdelay $0x1  }
0x87: {  	v4 =	vadd.s32 v1, v4;
	_ =	sdelay $0x3  }
0x88: {  	v3 =	vperm.xlane v3, v2  }
0x89: {  	[tilespmem:s15], [sflag:$0x2] =	stream.indirect_vreg.gather [hbm4b:s1+s3], $0x80, v4, vm0, $0xb8;
	[tilespmem:$0x18100] =	vst v63  }
0x8a: {  	s31 =	simm.s32 $0xC900;
	v3 =	vadd.s32 v1, v3  }
0x8b: {  	[tilespmem:s31], [sflag:$0x2] =	stream.indirect_vreg.gather [hbm4b:s8+s3], $0x80, v4, vm0, $0xb8;
	[tilespmem:$0x18100] =	vst v63  }
0x8c: {  	s30 =	simm.s32 $0xD100  }
0x8d: {  	[tilespmem:s30], [sflag:$0x2] =	stream.indirect_vreg.gather [hbm4b:s9+s3], $0x80, v4, vm0, $0xb8;
	[tilespmem:$0x18100] =	vst v63  }
0x8e: {  	s31 =	simm.s32 $0xD900  }
0x8f: {  	[tilespmem:s31], [sflag:$0x2] =	stream.indirect_vreg.gather [hbm4b:s1+s3], $0x80, v3, vm0, $0xb8;
	[tilespmem:$0x18100] =	vst v63  }
0x90: {  	s30 =	simm.s32 $0xE100  }
0x91: {  	[tilespmem:s30], [sflag:$0x2] =	stream.indirect_vreg.gather [hbm4b:s8+s3], $0x80, v3, vm0, $0xb8;
	[tilespmem:$0x18100] =	vst v63  }
0x92: {  	s31 =	simm.s32 $0xE900  }
0x93: {  	[tilespmem:s31], [sflag:$0x2] =	stream.indirect_vreg.gather [hbm4b:s9+s3], $0x80, v3, vm0, $0xb8;
	[tilespmem:$0x18100] =	vst v63  }
0x94: {  	v3 =	vld [tilespmem:$0x90];
	_ =	sdelay $0x4  }
0x95: {  	v61 =	vshrl.u32 v3, $0x3  }
0x96: {  	v4 =	vmul.u32 $0x30, v61  }
0x97: {  	v3 =	vand.u32 $0x7, v3  }
0x98: {  	v3 =	vor.u32 v3, v4  }
0x99: {  	v4 =	vperm.xlane v3, v0;
	_ =	sdelay $0x1  }
0x9a: {  	v4 =	vadd.s32 v1, v4;
	_ =	sdelay $0x3  }
0x9b: {  	s30 =	simm.s32 $0xF100;
	v3 =	vperm.xlane v3, v2  }
0x9c: {  	[tilespmem:s30], [sflag:$0x2] =	stream.indirect_vreg.gather [hbm4b:s1+s3], $0x80, v4, vm0, $0xb8;
	[tilespmem:$0x18100] =	vst v63  }
0x9d: {  	s31 =	simm.s32 $0xF900;
	v3 =	vadd.s32 v1, v3  }
0x9e: {  	[tilespmem:s31], [sflag:$0x2] =	stream.indirect_vreg.gather [hbm4b:s8+s3], $0x80, v4, vm0, $0xb8;
	[tilespmem:$0x18100] =	vst v63  }
0x9f: {  	s30 =	simm.s32 $0x10100  }
0xa0: {  	[tilespmem:s30], [sflag:$0x2] =	stream.indirect_vreg.gather [hbm4b:s9+s3], $0x80, v4, vm0, $0xb8;
	[tilespmem:$0x18100] =	vst v63  }
0xa1: {  	s31 =	simm.s32 $0x10900  }
0xa2: {  	[tilespmem:s31], [sflag:$0x2] =	stream.indirect_vreg.gather [hbm4b:s1+s3], $0x80, v3, vm0, $0xb8;
	[tilespmem:$0x18100] =	vst v63  }
0xa3: {  	s30 =	simm.s32 $0x11100  }
0xa4: {  	[tilespmem:s30], [sflag:$0x2] =	stream.indirect_vreg.gather [hbm4b:s8+s3], $0x80, v3, vm0, $0xb8;
	[tilespmem:$0x18100] =	vst v63  }
0xa5: {  	s31 =	simm.s32 $0x11900  }
0xa6: {  	[tilespmem:s31], [sflag:$0x2] =	stream.indirect_vreg.gather [hbm4b:s9+s3], $0x80, v3, vm0, $0xb8;
	[tilespmem:$0x18100] =	vst v63  }
0xa7: {  	v3 =	vld [tilespmem:$0xA0];
	_ =	sdelay $0x4  }
0xa8: {  	v62 =	vshrl.u32 v3, $0x3  }
0xa9: {  	v4 =	vmul.u32 $0x30, v62  }
0xaa: {  	v3 =	vand.u32 $0x7, v3  }
0xab: {  	v3 =	vor.u32 v3, v4  }
0xac: {  	v4 =	vperm.xlane v3, v0;
	_ =	sdelay $0x1  }
0xad: {  	v4 =	vadd.s32 v1, v4;
	_ =	sdelay $0x3  }
0xae: {  	s30 =	simm.s32 $0x12100;
	v3 =	vperm.xlane v3, v2  }
0xaf: {  	[tilespmem:s30], [sflag:$0x2] =	stream.indirect_vreg.gather [hbm4b:s1+s3], $0x80, v4, vm0, $0xb8;
	[tilespmem:$0x18100] =	vst v63  }
0xb0: {  	s31 =	simm.s32 $0x12900;
	v3 =	vadd.s32 v1, v3  }
0xb1: {  	[tilespmem:s31], [sflag:$0x2] =	stream.indirect_vreg.gather [hbm4b:s8+s3], $0x80, v4, vm0, $0xb8;
	[tilespmem:$0x18100] =	vst v63  }
0xb2: {  	s30 =	simm.s32 $0x13100  }
0xb3: {  	[tilespmem:s30], [sflag:$0x2] =	stream.indirect_vreg.gather [hbm4b:s9+s3], $0x80, v4, vm0, $0xb8;
	[tilespmem:$0x18100] =	vst v63  }
0xb4: {  	s31 =	simm.s32 $0x13900  }
0xb5: {  	[tilespmem:s31], [sflag:$0x2] =	stream.indirect_vreg.gather [hbm4b:s1+s3], $0x80, v3, vm0, $0xb8;
	[tilespmem:$0x18100] =	vst v63  }
0xb6: {  	s30 =	simm.s32 $0x14100  }
0xb7: {  	[tilespmem:s30], [sflag:$0x2] =	stream.indirect_vreg.gather [hbm4b:s8+s3], $0x80, v3, vm0, $0xb8;
	[tilespmem:$0x18100] =	vst v63  }
0xb8: {  	_ = 	snop  }
0xb9: {  	[tilespmem:s2], [sflag:$0x2] =	stream.indirect_vreg.gather [hbm4b:s9+s3], $0x80, v3, vm0, $0xb8;
	[tilespmem:$0x18100] =	vst v63  }
0xba: {  	v3 =	vld [tilespmem:$0xB0];
	_ =	sdelay $0x4  }
0xbb: {  	v63 =	vshrl.u32 v3, $0x3  }
0xbc: {  	v4 =	vmul.u32 $0x30, v63  }
0xbd: {  	v3 =	vand.u32 $0x7, v3  }
0xbe: {  	v3 =	vor.u32 v3, v4  }
0xbf: {  	v4 =	vperm.xlane v3, v0;
	_ =	sdelay $0x1  }
0xc0: {  	v4 =	vadd.s32 v1, v4;
	_ =	sdelay $0x3  }
0xc1: {  	v3 =	vperm.xlane v3, v2  }
0xc2: {  	[tilespmem:s7], [sflag:$0x2] =	stream.indirect_vreg.gather [hbm4b:s1+s3], $0x80, v4, vm0, $0xb8;
	[tilespmem:$0x18100] =	vst v63  }
0xc3: {  	v3 =	vadd.s32 v1, v3  }
0xc4: {  	[tilespmem:s11], [sflag:$0x2] =	stream.indirect_vreg.gather [hbm4b:s8+s3], $0x80, v4, vm0, $0xb8;
	[tilespmem:$0x18100] =	vst v63  }
0xc5: {  	s31 =	sshll.u32 s29, $0x6  }
0xc6: {  	[tilespmem:s13], [sflag:$0x2] =	stream.indirect_vreg.gather [hbm4b:s9+s3], $0x80, v4, vm0, $0xb8;
	[tilespmem:$0x18100] =	vst v63  }
0xc7: {  	s0 =	sadd.s32 s31, s5  }
0xc8: {  	[tilespmem:s14], [sflag:$0x2] =	stream.indirect_vreg.gather [hbm4b:s1+s3], $0x80, v3, vm0, $0xb8;
	[tilespmem:$0x18100] =	vst v63  }
0xc9: {  	s29 =	smul.u32 $0xC00000, s29;
	s0 =	sshrl.u32 s0, $0x3  }
0xca: {  	[tilespmem:s16], [sflag:$0x2] =	stream.indirect_vreg.gather [hbm4b:s8+s3], $0x80, v3, vm0, $0xb8;
	[tilespmem:$0x18100] =	vst v63  }
0xcb: {  	p0 =	seq.s32 s26, $0x400;
	s0 =	smul.u32 $0x1800, s0  }
0xcc: {  	[tilespmem:s17], [sflag:$0x2] =	stream.indirect_vreg.gather [hbm4b:s9+s3], $0x80, v3, vm0, $0xb8;
	[tilespmem:$0x18100] =	vst v63  }
.Ltmp4:
0xcd: {  	s0 =	sadd.s32 s0, s25;
	(pc) =	sbr.rel @p0 .LBB2_4-.Ltmp4, $4  }
0xce: {  	s29 =	ssub.s32 s0, s29;
	_ =	swait.ge [sflag:s18], $0xC000  }
0xcf: {  	s0 =	sshrl.u32 s29, $0x3;
	[sflag:s18] =	ssyncset.done $0x0  }
0xd0: {  	s0 =	sadd.s32 s6, s0;
	[sflag:s18] =	ssyncadd.s32 $0xFFFF4000  }
0xd1: {  	[hbm4b:s0+s3] =	stream.linear.scatter [tilespmem:s19], [sflag:$0x3], $0xC000, $0x38;
	[tilespmem:$0x18100] =	vst v63  }
0xd2: {  	s0 =	sshll.u32 s24, $0x4  }
0xd3: {  	s30 =	sshll.u32 s24, $0xC;
	s31 =	sand.u32 $0x1FFFFFC0, s0  }
0xd4: {  	s30 =	sand.u32 $0xFFFFC000, s30;
	s31 =	sadd.s32 s5, s31  }
0xd5: {  	s30 =	ssub.s32 s23, s30;
	s31 =	sshll.u32 s31, $0x2  }
0xd6: {  	s30 =	sand.u32 $0xFFFFC000, s30;
	s31 =	sand.u32 $0x7FFFFE00, s31  }
0xd7: {  	s30 =	sadd.s32 s30, s31;
	s31 =	sand.u32 $0x100, s26  }
0xd8: {  	s0 =	sand.u32 $0x40, s0;
	s30 =	sor.u32 s31, s30  }
0xd9: {  	_ =	swait.ge [sflag:s21], $0xC000;
	s0 =	sor.u32 s0, s30  }
0xda: {  	[sflag:s21] =	ssyncset.done $0x0;
	s0 =	sshrl.u32 s0, $0x3  }
0xdb: {  	[sflag:s21] =	ssyncadd.s32 $0xFFFF4000;
	s0 =	sadd.s32 s4, s0  }
0xdc: {  	[tilespmem:s3], [sflag:$0x5] =	stream.linear.gather [hbm4b:s0+s3], $0x40, $0x38;
	[tilespmem:$0x18100] =	vst v63  }
0xdd: {  	_ =	swait.ge [sflag:s12], $0x40  }
0xde: {  	[sflag:s12] =	ssyncset.done $0x0  }
0xdf: {  	[sflag:s12] =	ssyncadd.s32 $0xFFFFFFC0  }
0xe0: {  	v3 =	vld [tilespmem:$0x0];
	_ =	sdelay $0x4  }
0xe1: {  	v4 =	vshrl.u32 v3, $0x3  }
0xe2: {  	v4 =	vmul.u32 $0x30, v4  }
0xe3: {  	v3 =	vand.u32 $0x7, v3  }
0xe4: {  	v3 =	vor.u32 v3, v4  }
0xe5: {  	v4 =	vperm.xlane v3, v0;
	_ =	sdelay $0x1  }
0xe6: {  	v4 =	vadd.s32 v1, v4;
	_ =	sdelay $0x3  }
0xe7: {  	v3 =	vperm.xlane v3, v2  }
0xe8: {  	[tilespmem:s19], [sflag:$0x1] =	stream.indirect_vreg.gather [hbm4b:s1+s3], $0x80, v4, vm0, $0xb8;
	[tilespmem:$0x18100] =	vst v63  }
0xe9: {  	s31 =	simm.s32 $0x900;
	v3 =	vadd.s32 v1, v3  }
0xea: {  	[tilespmem:s31], [sflag:$0x1] =	stream.indirect_vreg.gather [hbm4b:s8+s3], $0x80, v4, vm0, $0xb8;
	[tilespmem:$0x18100] =	vst v63  }
0xeb: {  	s30 =	simm.s32 $0x1100  }
0xec: {  	[tilespmem:s30], [sflag:$0x1] =	stream.indirect_vreg.gather [hbm4b:s9+s3], $0x80, v4, vm0, $0xb8;
	[tilespmem:$0x18100] =	vst v63  }
0xed: {  	s31 =	simm.s32 $0x1900  }
0xee: {  	[tilespmem:s31], [sflag:$0x1] =	stream.indirect_vreg.gather [hbm4b:s1+s3], $0x80, v3, vm0, $0xb8;
	[tilespmem:$0x18100] =	vst v63  }
0xef: {  	s30 =	simm.s32 $0x2100  }
0xf0: {  	[tilespmem:s30], [sflag:$0x1] =	stream.indirect_vreg.gather [hbm4b:s8+s3], $0x80, v3, vm0, $0xb8;
	[tilespmem:$0x18100] =	vst v63  }
0xf1: {  	s31 =	simm.s32 $0x2900  }
0xf2: {  	[tilespmem:s31], [sflag:$0x1] =	stream.indirect_vreg.gather [hbm4b:s9+s3], $0x80, v3, vm0, $0xb8;
	[tilespmem:$0x18100] =	vst v63  }
0xf3: {  	v3 =	vld [tilespmem:$0x10];
	_ =	sdelay $0x4  }
0xf4: {  	v61 =	vshrl.u32 v3, $0x3  }
0xf5: {  	v4 =	vmul.u32 $0x30, v61  }
0xf6: {  	v3 =	vand.u32 $0x7, v3  }
0xf7: {  	v3 =	vor.u32 v3, v4  }
0xf8: {  	v4 =	vperm.xlane v3, v0;
	_ =	sdelay $0x1  }
0xf9: {  	v4 =	vadd.s32 v1, v4;
	_ =	sdelay $0x3  }
0xfa: {  	s30 =	simm.s32 $0x3100;
	v3 =	vperm.xlane v3, v2  }
0xfb: {  	[tilespmem:s30], [sflag:$0x1] =	stream.indirect_vreg.gather [hbm4b:s1+s3], $0x80, v4, vm0, $0xb8;
	[tilespmem:$0x18100] =	vst v63  }
0xfc: {  	s31 =	simm.s32 $0x3900;
	v3 =	vadd.s32 v1, v3  }
0xfd: {  	[tilespmem:s31], [sflag:$0x1] =	stream.indirect_vreg.gather [hbm4b:s8+s3], $0x80, v4, vm0, $0xb8;
	[tilespmem:$0x18100] =	vst v63  }
0xfe: {  	s30 =	simm.s32 $0x4100  }
0xff: {  	[tilespmem:s30], [sflag:$0x1] =	stream.indirect_vreg.gather [hbm4b:s9+s3], $0x80, v4, vm0, $0xb8;
	[tilespmem:$0x18100] =	vst v63  }
0x100: {  	s31 =	simm.s32 $0x4900  }
0x101: {  	[tilespmem:s31], [sflag:$0x1] =	stream.indirect_vreg.gather [hbm4b:s1+s3], $0x80, v3, vm0, $0xb8;
	[tilespmem:$0x18100] =	vst v63  }
0x102: {  	s30 =	simm.s32 $0x5100  }
0x103: {  	[tilespmem:s30], [sflag:$0x1] =	stream.indirect_vreg.gather [hbm4b:s8+s3], $0x80, v3, vm0, $0xb8;
	[tilespmem:$0x18100] =	vst v63  }
0x104: {  	s31 =	simm.s32 $0x5900  }
0x105: {  	[tilespmem:s31], [sflag:$0x1] =	stream.indirect_vreg.gather [hbm4b:s9+s3], $0x80, v3, vm0, $0xb8;
	[tilespmem:$0x18100] =	vst v63  }
0x106: {  	v3 =	vld [tilespmem:$0x20];
	_ =	sdelay $0x4  }
0x107: {  	v62 =	vshrl.u32 v3, $0x3  }
0x108: {  	v4 =	vmul.u32 $0x30, v62  }
0x109: {  	v3 =	vand.u32 $0x7, v3  }
0x10a: {  	v3 =	vor.u32 v3, v4  }
0x10b: {  	v4 =	vperm.xlane v3, v0;
	_ =	sdelay $0x1  }
0x10c: {  	v4 =	vadd.s32 v1, v4;
	_ =	sdelay $0x3  }
0x10d: {  	s30 =	simm.s32 $0x6100;
	v3 =	vperm.xlane v3, v2  }
0x10e: {  	[tilespmem:s30], [sflag:$0x1] =	stream.indirect_vreg.gather [hbm4b:s1+s3], $0x80, v4, vm0, $0xb8;
	[tilespmem:$0x18100] =	vst v63  }
0x10f: {  	s31 =	simm.s32 $0x6900;
	v3 =	vadd.s32 v1, v3  }
0x110: {  	[tilespmem:s31], [sflag:$0x1] =	stream.indirect_vreg.gather [hbm4b:s8+s3], $0x80, v4, vm0, $0xb8;
	[tilespmem:$0x18100] =	vst v63  }
0x111: {  	s30 =	simm.s32 $0x7100  }
0x112: {  	[tilespmem:s30], [sflag:$0x1] =	stream.indirect_vreg.gather [hbm4b:s9+s3], $0x80, v4, vm0, $0xb8;
	[tilespmem:$0x18100] =	vst v63  }
0x113: {  	s31 =	simm.s32 $0x7900  }
0x114: {  	[tilespmem:s31], [sflag:$0x1] =	stream.indirect_vreg.gather [hbm4b:s1+s3], $0x80, v3, vm0, $0xb8;
	[tilespmem:$0x18100] =	vst v63  }
0x115: {  	s30 =	simm.s32 $0x8100  }
0x116: {  	[tilespmem:s30], [sflag:$0x1] =	stream.indirect_vreg.gather [hbm4b:s8+s3], $0x80, v3, vm0, $0xb8;
	[tilespmem:$0x18100] =	vst v63  }
0x117: {  	s31 =	simm.s32 $0x8900  }
0x118: {  	[tilespmem:s31], [sflag:$0x1] =	stream.indirect_vreg.gather [hbm4b:s9+s3], $0x80, v3, vm0, $0xb8;
	[tilespmem:$0x18100] =	vst v63  }
0x119: {  	v3 =	vld [tilespmem:$0x30];
	_ =	sdelay $0x4  }
0x11a: {  	v63 =	vshrl.u32 v3, $0x3  }
0x11b: {  	v4 =	vmul.u32 $0x30, v63  }
0x11c: {  	v3 =	vand.u32 $0x7, v3  }
0x11d: {  	v3 =	vor.u32 v3, v4  }
0x11e: {  	v4 =	vperm.xlane v3, v0;
	_ =	sdelay $0x1  }
0x11f: {  	v4 =	vadd.s32 v1, v4;
	_ =	sdelay $0x3  }
0x120: {  	s30 =	simm.s32 $0x9100;
	v3 =	vperm.xlane v3, v2  }
0x121: {  	[tilespmem:s30], [sflag:$0x1] =	stream.indirect_vreg.gather [hbm4b:s1+s3], $0x80, v4, vm0, $0xb8;
	[tilespmem:$0x18100] =	vst v63  }
0x122: {  	s31 =	simm.s32 $0x9900;
	v3 =	vadd.s32 v1, v3  }
0x123: {  	[tilespmem:s31], [sflag:$0x1] =	stream.indirect_vreg.gather [hbm4b:s8+s3], $0x80, v4, vm0, $0xb8;
	[tilespmem:$0x18100] =	vst v63  }
0x124: {  	s30 =	simm.s32 $0xA100  }
0x125: {  	[tilespmem:s30], [sflag:$0x1] =	stream.indirect_vreg.gather [hbm4b:s9+s3], $0x80, v4, vm0, $0xb8;
	[tilespmem:$0x18100] =	vst v63  }
0x126: {  	s31 =	simm.s32 $0xA900  }
0x127: {  	[tilespmem:s31], [sflag:$0x1] =	stream.indirect_vreg.gather [hbm4b:s1+s3], $0x80, v3, vm0, $0xb8;
	[tilespmem:$0x18100] =	vst v63  }
.Ltmp5:
0x128: {  	_ = 	snop;
	(pc) =	sbr.rel .LBB2_4-.Ltmp5, $4  }
0x129: {  	s30 =	simm.s32 $0xB100  }
0x12a: {  	[tilespmem:s30], [sflag:$0x1] =	stream.indirect_vreg.gather [hbm4b:s8+s3], $0x80, v3, vm0, $0xb8;
	[tilespmem:$0x18100] =	vst v63  }
0x12b: {  	s31 =	simm.s32 $0xB900  }
0x12c: {  	[tilespmem:s31], [sflag:$0x1] =	stream.indirect_vreg.gather [hbm4b:s9+s3], $0x80, v3, vm0, $0xb8;
	[tilespmem:$0x18100] =	vst v63  }
.LBB2_6:
0x12d: {  	_ =	sfence.sel $0x180000  }
0x12e: {  	[bflag:$0x0] =	sbarrier.arrive $0xFFFF  }
0x12f: {  	_ =	strace $0x9000004A  }
0x130: {  	s0 =	stileid.u32;
	[bflag:$0x2] =	sbarrier.arrive $0xFFFF  }
0x131: {  	p0 =	sne.s32 s0, $0x0;
	s0 =	rddreg [dreg:$0x2]  }
0x132: {  	s0 =	sadd.s32 @!p0 $0x100000, s0  }
0x133: {  	[sflag:s0] =	ssyncadd.tile.s32 @!p0 $0x1;
	_ =	shalt  }
.Lfunc_end2:
_tile_overlayer_lowered:
.L_overlay_start_2:
0x134: {  	(tag) =	ssettag $0x2  }
0x135: {  	s0 =	rddreg [dreg:$0x0];
	s2 =	stileid.u32  }
0x136: {  	s1 =	rddreg [dreg:$0x1];
	p0 =	sne.s32 s2, $0x0  }
0x137: {  	s3 =	rddreg [dreg:$0x2];
	[bflag:$0x3] =	sbarrier.arrive $0xFFFF;
	s2 =	simm.s32 @!p0 $0x1C05  }
0x138: {  	[timem:s3], [sflag:s2] =	dma.local @!p0 [hbm:s0], s1  }
0x139: {  	s0 =	simm.s32 @!p0 $0x5  }
0x13a: {  	_ =	swait.ge @!p0 [sflag:s0], s1  }
0x13b: {  	s1 =	ssub.s32 @!p0 $0x0, s1;
	[sflag:s0] =	ssyncset.done @!p0 $0x0  }
0x13c: {  	[sflag:s0] =	ssyncadd.s32 @!p0 s1  }
0x13d: {  	[bflag:$0x3] =	sbarrier.arrive $0xFFFF  }
0x13e: {  	_ =	shalt  }

</sc_bundles>
